<compile_context>
chip_gen: v7x
topology: tpu7x:2x2x1
jax: 0.10.2.dev20260603
libtpu: 0.0.44.dev20260713+nightly
codegen_flags: <defaults>
</compile_context>

<pallas_src>
import functools

import jax
import jax.numpy as jnp
from jax import lax
from jax.experimental import pallas as pl
from jax.experimental.pallas import tpu as pltpu
from jax.experimental.pallas import tpu_sc as plsc

BATCH = 4096
SEQ = 200
EMB = 32
LAT = 64
NTOK = BATCH * SEQ
NC, NS = 2, 16
NW = NC * NS
PER_W = NTOK // NW
CHUNK = 512
NBUF = 2
NCHUNK = PER_W // CHUNK
NR = SEQ * EMB // 128
assert NCHUNK % NBUF == 0 and PER_W % CHUNK == 0


VOCAB = 1000000
VCHUNK = 512
NFULL = VOCAB // VCHUNK
VTAIL0 = 1952 * VCHUNK
VTAIL1 = VTAIL0 + 512


def _sc_format_table(embed_table):
    mesh = plsc.VectorSubcoreMesh(core_axis_name="c", subcore_axis_name="s")

    @functools.partial(
        pl.kernel,
        out_type=jax.ShapeDtypeStruct((VOCAB * EMB,), jnp.float32),
        mesh=mesh,
        scratch_types=[
            pltpu.VMEM((EMB, VCHUNK), jnp.float32),
            pltpu.VMEM((EMB, VCHUNK), jnp.float32),
            pltpu.VMEM((VCHUNK * EMB,), jnp.float32),
            pltpu.VMEM((VCHUNK * EMB,), jnp.float32),
            pltpu.SemaphoreType.DMA,
            pltpu.SemaphoreType.DMA,
            pltpu.SemaphoreType.DMA,
            pltpu.SemaphoreType.DMA,
        ],
        compiler_params=pltpu.CompilerParams(
            use_tc_tiling_on_sc=True, needs_layout_passes=False),
    )
    def transpose_kernel(tt_hbm, tail_hbm, out_hbm, inbuf0, inbuf1,
                         outbuf0, outbuf1, isem0, isem1, osem0, osem1):
        wid = lax.axis_index("s") * NC + lax.axis_index("c")
        lane = lax.iota(jnp.int32, 16)
        inbufs = [inbuf0, inbuf1]
        outbufs = [outbuf0, outbuf1]
        isems = [isem0, isem1]
        osems = [osem0, osem1]
        nmine = 62

        def chunk_v(i):
            return (wid + i * NW) * VCHUNK

        def start_in(i, slot):
            pltpu.async_copy(tt_hbm.at[:, pl.ds(chunk_v(i), VCHUNK)],
                             inbufs[slot], isems[slot])

        def transpose_into(slot):
            @pl.loop(0, EMB)
            def _(c0):
                cj = (c0 + lane) & (EMB - 1)
                writebase = lane * EMB + cj

                @plsc.parallel_loop(0, VCHUNK // 16, unroll=8)
                def _(u0):
                    vals = plsc.load_gather(inbufs[slot], [cj, u0 * 16 + lane])
                    plsc.store_scatter(outbufs[slot],
                                       [writebase + u0 * (16 * EMB)], vals)

        def start_out(i, slot):
            pltpu.async_copy(outbufs[slot],
                             out_hbm.at[pl.ds(chunk_v(i) * EMB, VCHUNK * EMB)],
                             osems[slot])

        def wait_in(i, slot):
            pltpu.make_async_copy(tt_hbm.at[:, pl.ds(chunk_v(i), VCHUNK)],
                                  inbufs[slot], isems[slot]).wait()

        def wait_out(i, slot):
            pltpu.make_async_copy(outbufs[slot],
                                  out_hbm.at[pl.ds(chunk_v(i) * EMB,
                                                   VCHUNK * EMB)],
                                  osems[slot]).wait()

        start_in(0, 0)

        @pl.loop(0, nmine, step=2)
        def _(i):
            for b in (0, 1):
                ii = i + b

                @pl.when(wid + ii * NW < 1953)
                def _():
                    @pl.when(jnp.logical_and(ii + 1 < nmine,
                                             wid + (ii + 1) * NW < 1953))
                    def _():
                        start_in(ii + 1, 1 - b)

                    wait_in(ii, b)

                    @pl.when(ii >= 2)
                    def _():
                        wait_out(ii - 2, b)

                    transpose_into(b)
                    start_out(ii, b)

        for b in (0, 1):
            @pl.when(wid + (nmine - 2 + b) * NW < 1953)
            def _():
                wait_out(nmine - 2 + b, b)

        @pl.when(wid == 1)
        def _():
            pltpu.sync_copy(tail_hbm, out_hbm.at[pl.ds(VTAIL1 * EMB, 64 * EMB)])

    tail = embed_table[VTAIL1:].reshape(64 * EMB)
    return transpose_kernel(embed_table.T, tail)


def _sc_gather(x_flat, embed_table):
    mesh = plsc.VectorSubcoreMesh(core_axis_name="c", subcore_axis_name="s")

    @functools.partial(
        pl.kernel,
        out_type=jax.ShapeDtypeStruct((NTOK, EMB), jnp.float32),
        mesh=mesh,
        scratch_types=[
            pltpu.VMEM((NBUF, CHUNK), jnp.int32),
            pltpu.VMEM((NBUF, CHUNK, EMB), jnp.float32),
            pltpu.SemaphoreType.DMA,
            pltpu.SemaphoreType.DMA,
        ],
        compiler_params=pltpu.CompilerParams(use_tc_tiling_on_sc=False),
    )
    def gather_kernel(x_hbm, table_hbm, out_hbm, idx_v, rows_v, sem0, sem1):
        wid = lax.axis_index("s") * NC + lax.axis_index("c")
        base = wid * PER_W
        sems = [sem0, sem1]

        def start(c, slot):
            off = base + c * CHUNK
            pltpu.sync_copy(x_hbm.at[pl.ds(off, CHUNK)], idx_v.at[slot])
            pltpu.async_copy(table_hbm.at[idx_v.at[slot]], rows_v.at[slot],
                             sems[slot])

        def drain(c, slot):
            off = base + c * CHUNK
            pltpu.make_async_copy(table_hbm.at[idx_v.at[slot]],
                                  rows_v.at[slot], sems[slot]).wait()
            pltpu.sync_copy(rows_v.at[slot], out_hbm.at[pl.ds(off, CHUNK)])

        for b in range(NBUF):
            start(b, b)

        @pl.loop(0, NCHUNK - NBUF, step=NBUF)
        def _ring(c):
            for b in range(NBUF):
                drain(c + b, b)
                start(c + NBUF + b, b)

        for b in range(NBUF):
            drain(NCHUNK - NBUF + b, b)

    return gather_kernel(x_flat, embed_table)


def _tc_encode(e2d, pos_flat, dense_kernel, bias2d):
    BM = 256
    grid = (BATCH // BM,)

    def mm_kernel(e_ref, pos_ref, w_ref, b_ref, o_ref):
        e = e_ref[...] + pos_ref[...]
        o_ref[...] = (
            jnp.dot(e, w_ref[...], preferred_element_type=jnp.float32)
            + b_ref[...]
        )

    return pl.pallas_call(
        mm_kernel,
        grid=grid,
        in_specs=[
            pl.BlockSpec((BM, SEQ * EMB), lambda i: (i, 0)),
            pl.BlockSpec((1, SEQ * EMB), lambda i: (0, 0)),
            pl.BlockSpec((SEQ * EMB, LAT), lambda i: (0, 0)),
            pl.BlockSpec((1, LAT), lambda i: (0, 0)),
        ],
        out_specs=pl.BlockSpec((BM, LAT), lambda i: (i, 0)),
        out_shape=jax.ShapeDtypeStruct((BATCH, LAT), jnp.float32),
    )(e2d, pos_flat, dense_kernel, bias2d)


def kernel(x, embed_table, pos_emb, dense_kernel, dense_bias):
    x_flat = x.reshape((NTOK,))
    table_rm = _sc_format_table(embed_table).reshape((VOCAB, EMB))
    e = _sc_gather(x_flat, table_rm)
    e2d = e.reshape((BATCH, SEQ * EMB))
    pos_flat = pos_emb.reshape((1, SEQ * EMB))
    bias2d = dense_bias.reshape((1, LAT))
    return _tc_encode(e2d, pos_flat, dense_kernel, bias2d)

# --- scband reference (transcript-rebuilt; emitter-appended) ---
"""Pipeline reference for scband-encoder-36258113913125 (READ-ONLY COPY).

The authoritative reference and input builder live on the scoring server;
editing this copy changes nothing except your own understanding.
"""

import jax, jax.numpy as jnp
import numpy as np

TRANSFORMER_LENGTH = 200
TRANSFORMER_VOCABULARY = 1000000
EMBED_WIDTH = 32
LATENT_DIM = 64
BATCH = 4096


def setup_inputs(seed: int = 0) -> dict:
    key = jax.random.key(seed)
    k1, k2, k3, k4, k5 = jax.random.split(key, 5)
    x = jax.random.randint(k1, (BATCH, TRANSFORMER_LENGTH), 0, TRANSFORMER_VOCABULARY, dtype=jnp.int32)
    embed_table = jax.random.normal(k2, (TRANSFORMER_VOCABULARY, EMBED_WIDTH), dtype=jnp.float32) * 0.02
    pos_emb = jax.random.normal(k3, (TRANSFORMER_LENGTH, EMBED_WIDTH), dtype=jnp.float32) * 0.02
    dense_kernel = jax.random.normal(k4, (TRANSFORMER_LENGTH * EMBED_WIDTH, LATENT_DIM), dtype=jnp.float32) * (1.0 / np.sqrt(TRANSFORMER_LENGTH * EMBED_WIDTH))
    dense_bias = jnp.zeros((LATENT_DIM,), dtype=jnp.float32)
    return {"x": x, "embed_table": embed_table, "pos_emb": pos_emb, "dense_kernel": dense_kernel, "dense_bias": dense_bias}


def reference(x, embed_table, pos_emb, dense_kernel, dense_bias):
    # nn.Embed lookup: gather rows of the embedding table
    e = jnp.take(embed_table, x, axis=0)            # [B, L, W]
    # add learned positional embedding (broadcast over batch)
    e = e + pos_emb[None, :, :]                      # [B, L, W]
    # flatten per example
    e = e.reshape((e.shape[0], -1))                  # [B, L*W]
    # Dense 'encoding' layer
    out = jnp.dot(e, dense_kernel) + dense_bias      # [B, latent_dim]
    return out

if __name__ == "__main__":
    import jax
    _d = setup_inputs()
    print(jax.jit(kernel)(*tuple(_d.values())))

</pallas_src>

<mosaic_0001>
#map = affine_map<(d0, d1) -> (0)>
#map1 = affine_map<(d0, d1) -> (0, 0)>
module attributes {stable_mosaic.version = 14 : i64} {
  func.func @gather_kernel(%arg0: i32, %arg1: i32, %arg2: memref<819200xi32, #tpu.memory_space<hbm>>, %arg3: memref<1000000x32xf32, #tpu.memory_space<hbm>>, %arg4: memref<819200x32xf32, #tpu.memory_space<hbm>>, %arg5: memref<2x512xi32, #tpu.memory_space<vmem>>, %arg6: memref<2x512x32xf32, #tpu.memory_space<vmem>>, %arg7: memref<!tpu.dma_semaphore, #tpu.memory_space<semaphore_mem>>, %arg8: memref<!tpu.dma_semaphore, #tpu.memory_space<semaphore_mem>>) attributes {dimension_semantics = [#tpu.dimension_semantics<core_parallel>, #tpu.dimension_semantics<subcore_parallel>], iteration_bounds = array<i64: 2, 16>, scalar_prefetch = 0 : i64, scratch_operands = 4 : i64, tpu.core_type = #tpu.core_type<sc_vector_subcore>, window_params = [{transform_indices = #map}, {transform_indices = #map1}, {transform_indices = #map1}]} {
    %mul3A = arith.constant 2 : i32
    %mul3A_0 = arith.muli %arg1, %mul3A : i32
    %add3A = arith.addi %mul3A_0, %arg0 : i32
    %mul3A_1 = arith.constant 25600 : i32
    %mul3A_2 = arith.muli %add3A, %mul3A_1 : i32
    %add3A_3 = arith.constant 0 : i32
    %add3A_4 = arith.addi %mul3A_2, %add3A_3 : i32
    %run_scoped3A = arith.constant 0 : i32
    "tpu.region"() ({
      %run_scoped3A_64 = tpu.sem_alloc : memref<!tpu.dma_semaphore, #tpu.memory_space<semaphore_mem>>
      %dma_start3A_65 = arith.constant 0 : i32
      %dma_start3A_66 = tpu.memref_slice %arg5[%run_scoped3A, %dma_start3A_65] : memref<2x512xi32, #tpu.memory_space<vmem>> -> memref<1x512xi32, #tpu.memory_space<vmem>>
      %dma_start3A_67 = tpu.memref_squeeze %dma_start3A_66 : memref<1x512xi32, #tpu.memory_space<vmem>> -> memref<512xi32, #tpu.memory_space<vmem>>
      %dma_start3A_68 = tpu.memref_slice %arg2[%add3A_4] : memref<819200xi32, #tpu.memory_space<hbm>> -> memref<512xi32, #tpu.memory_space<hbm>>
      %dma_start3A_69 = arith.constant 0 : i32
      %dma_start3A_70 = tpu.memref_slice %arg5[%run_scoped3A, %dma_start3A_69] : memref<2x512xi32, #tpu.memory_space<vmem>> -> memref<1x512xi32, #tpu.memory_space<vmem>>
      %dma_start3A_71 = tpu.memref_squeeze %dma_start3A_70 : memref<1x512xi32, #tpu.memory_space<vmem>> -> memref<512xi32, #tpu.memory_space<vmem>>
      %dma_start3A_72 = tpu.memref_slice %arg2[%add3A_4] : memref<819200xi32, #tpu.memory_space<hbm>> -> memref<512xi32, #tpu.memory_space<hbm>>
      tpu.enqueue_dma source(%dma_start3A_72 : memref<512xi32, #tpu.memory_space<hbm>>) target(%dma_start3A_71 : memref<512xi32, #tpu.memory_space<vmem>>) target_semaphore(%run_scoped3A_64 : memref<!tpu.dma_semaphore, #tpu.memory_space<semaphore_mem>>)
      %dma_wait3A_73 = arith.constant 0 : i32
      %dma_wait3A_74 = tpu.memref_slice %arg5[%run_scoped3A, %dma_wait3A_73] : memref<2x512xi32, #tpu.memory_space<vmem>> -> memref<1x512xi32, #tpu.memory_space<vmem>>
      %dma_wait3A_75 = tpu.memref_squeeze %dma_wait3A_74 : memref<1x512xi32, #tpu.memory_space<vmem>> -> memref<512xi32, #tpu.memory_space<vmem>>
      %dma_wait3A_76 = tpu.memref_slice %arg2[%add3A_4] : memref<819200xi32, #tpu.memory_space<hbm>> -> memref<512xi32, #tpu.memory_space<hbm>>
      %dma_wait3A_77 = arith.constant 0 : i32
      %dma_wait3A_78 = tpu.memref_slice %arg5[%run_scoped3A, %dma_wait3A_77] : memref<2x512xi32, #tpu.memory_space<vmem>> -> memref<1x512xi32, #tpu.memory_space<vmem>>
      %dma_wait3A_79 = tpu.memref_squeeze %dma_wait3A_78 : memref<1x512xi32, #tpu.memory_space<vmem>> -> memref<512xi32, #tpu.memory_space<vmem>>
      %dma_wait3A_80 = tpu.memref_slice %arg2[%add3A_4] : memref<819200xi32, #tpu.memory_space<hbm>> -> memref<512xi32, #tpu.memory_space<hbm>>
      tpu.wait_dma2 semaphore(%run_scoped3A_64 : memref<!tpu.dma_semaphore, #tpu.memory_space<semaphore_mem>>) src(%dma_wait3A_80 : memref<512xi32, #tpu.memory_space<hbm>>) dst(%dma_wait3A_79 : memref<512xi32, #tpu.memory_space<vmem>>)
      tpu.yield
    }) : () -> ()
    %dma_start3A = arith.constant 0 : i32
    %dma_start3A_5 = arith.constant 0 : i32
    %dma_start3A_6 = arith.constant 0 : i32
    %dma_start3A_7 = arith.constant 0 : i32
    %dma_start3A_8 = tpu.memref_slice %arg6[%dma_start3A_5, %dma_start3A_6, %dma_start3A_7] : memref<2x512x32xf32, #tpu.memory_space<vmem>> -> memref<1x512x32xf32, #tpu.memory_space<vmem>>
    %dma_start3A_9 = tpu.memref_squeeze %dma_start3A_8 : memref<1x512x32xf32, #tpu.memory_space<vmem>> -> memref<512x32xf32, #tpu.memory_space<vmem>>
    %dma_start3A_10 = arith.constant 0 : i32
    %dma_start3A_11 = tpu.memref_slice %arg5[%dma_start3A, %dma_start3A_10] : memref<2x512xi32, #tpu.memory_space<vmem>> -> memref<1x512xi32, #tpu.memory_space<vmem>>
    %dma_start3A_12 = tpu.memref_squeeze %dma_start3A_11 : memref<1x512xi32, #tpu.memory_space<vmem>> -> memref<512xi32, #tpu.memory_space<vmem>>
    %dma_start3A_13 = arith.constant 0 : i32
    %dma_start3A_14 = arith.constant 0 : i32
    %dma_start3A_15 = tpu.memref_slice %arg3[%dma_start3A_13, %dma_start3A_14] : memref<1000000x32xf32, #tpu.memory_space<hbm>> -> memref<1000000x32xf32, #tpu.memory_space<hbm>>
    tpu.enqueue_indirect_dma source(%dma_start3A_15 : memref<1000000x32xf32, #tpu.memory_space<hbm>>) target(%dma_start3A_9 : memref<512x32xf32, #tpu.memory_space<vmem>>) offsets(%dma_start3A_12 : memref<512xi32, #tpu.memory_space<vmem>>) semaphore(%arg7 : memref<!tpu.dma_semaphore, #tpu.memory_space<semaphore_mem>>)
    %add3A_16 = arith.constant 512 : i32
    %add3A_17 = arith.addi %mul3A_2, %add3A_16 : i32
    %run_scoped3A_18 = arith.constant 1 : i32
    "tpu.region"() ({
      %run_scoped3A_64 = tpu.sem_alloc : memref<!tpu.dma_semaphore, #tpu.memory_space<semaphore_mem>>
      %dma_start3A_65 = arith.constant 0 : i32
      %dma_start3A_66 = tpu.memref_slice %arg5[%run_scoped3A_18, %dma_start3A_65] : memref<2x512xi32, #tpu.memory_space<vmem>> -> memref<1x512xi32, #tpu.memory_space<vmem>>
      %dma_start3A_67 = tpu.memref_squeeze %dma_start3A_66 : memref<1x512xi32, #tpu.memory_space<vmem>> -> memref<512xi32, #tpu.memory_space<vmem>>
      %dma_start3A_68 = tpu.memref_slice %arg2[%add3A_17] : memref<819200xi32, #tpu.memory_space<hbm>> -> memref<512xi32, #tpu.memory_space<hbm>>
      %dma_start3A_69 = arith.constant 0 : i32
      %dma_start3A_70 = tpu.memref_slice %arg5[%run_scoped3A_18, %dma_start3A_69] : memref<2x512xi32, #tpu.memory_space<vmem>> -> memref<1x512xi32, #tpu.memory_space<vmem>>
      %dma_start3A_71 = tpu.memref_squeeze %dma_start3A_70 : memref<1x512xi32, #tpu.memory_space<vmem>> -> memref<512xi32, #tpu.memory_space<vmem>>
      %dma_start3A_72 = tpu.memref_slice %arg2[%add3A_17] : memref<819200xi32, #tpu.memory_space<hbm>> -> memref<512xi32, #tpu.memory_space<hbm>>
      tpu.enqueue_dma source(%dma_start3A_72 : memref<512xi32, #tpu.memory_space<hbm>>) target(%dma_start3A_71 : memref<512xi32, #tpu.memory_space<vmem>>) target_semaphore(%run_scoped3A_64 : memref<!tpu.dma_semaphore, #tpu.memory_space<semaphore_mem>>)
      %dma_wait3A_73 = arith.constant 0 : i32
      %dma_wait3A_74 = tpu.memref_slice %arg5[%run_scoped3A_18, %dma_wait3A_73] : memref<2x512xi32, #tpu.memory_space<vmem>> -> memref<1x512xi32, #tpu.memory_space<vmem>>
      %dma_wait3A_75 = tpu.memref_squeeze %dma_wait3A_74 : memref<1x512xi32, #tpu.memory_space<vmem>> -> memref<512xi32, #tpu.memory_space<vmem>>
      %dma_wait3A_76 = tpu.memref_slice %arg2[%add3A_17] : memref<819200xi32, #tpu.memory_space<hbm>> -> memref<512xi32, #tpu.memory_space<hbm>>
      %dma_wait3A_77 = arith.constant 0 : i32
      %dma_wait3A_78 = tpu.memref_slice %arg5[%run_scoped3A_18, %dma_wait3A_77] : memref<2x512xi32, #tpu.memory_space<vmem>> -> memref<1x512xi32, #tpu.memory_space<vmem>>
      %dma_wait3A_79 = tpu.memref_squeeze %dma_wait3A_78 : memref<1x512xi32, #tpu.memory_space<vmem>> -> memref<512xi32, #tpu.memory_space<vmem>>
      %dma_wait3A_80 = tpu.memref_slice %arg2[%add3A_17] : memref<819200xi32, #tpu.memory_space<hbm>> -> memref<512xi32, #tpu.memory_space<hbm>>
      tpu.wait_dma2 semaphore(%run_scoped3A_64 : memref<!tpu.dma_semaphore, #tpu.memory_space<semaphore_mem>>) src(%dma_wait3A_80 : memref<512xi32, #tpu.memory_space<hbm>>) dst(%dma_wait3A_79 : memref<512xi32, #tpu.memory_space<vmem>>)
      tpu.yield
    }) : () -> ()
    %dma_start3A_19 = arith.constant 1 : i32
    %dma_start3A_20 = arith.constant 1 : i32
    %dma_start3A_21 = arith.constant 0 : i32
    %dma_start3A_22 = arith.constant 0 : i32
    %dma_start3A_23 = tpu.memref_slice %arg6[%dma_start3A_20, %dma_start3A_21, %dma_start3A_22] : memref<2x512x32xf32, #tpu.memory_space<vmem>> -> memref<1x512x32xf32, #tpu.memory_space<vmem>>
    %dma_start3A_24 = tpu.memref_squeeze %dma_start3A_23 : memref<1x512x32xf32, #tpu.memory_space<vmem>> -> memref<512x32xf32, #tpu.memory_space<vmem>>
    %dma_start3A_25 = arith.constant 0 : i32
    %dma_start3A_26 = tpu.memref_slice %arg5[%dma_start3A_19, %dma_start3A_25] : memref<2x512xi32, #tpu.memory_space<vmem>> -> memref<1x512xi32, #tpu.memory_space<vmem>>
    %dma_start3A_27 = tpu.memref_squeeze %dma_start3A_26 : memref<1x512xi32, #tpu.memory_space<vmem>> -> memref<512xi32, #tpu.memory_space<vmem>>
    %dma_start3A_28 = arith.constant 0 : i32
    %dma_start3A_29 = arith.constant 0 : i32
    %dma_start3A_30 = tpu.memref_slice %arg3[%dma_start3A_28, %dma_start3A_29] : memref<1000000x32xf32, #tpu.memory_space<hbm>> -> memref<1000000x32xf32, #tpu.memory_space<hbm>>
    tpu.enqueue_indirect_dma source(%dma_start3A_30 : memref<1000000x32xf32, #tpu.memory_space<hbm>>) target(%dma_start3A_24 : memref<512x32xf32, #tpu.memory_space<vmem>>) offsets(%dma_start3A_27 : memref<512xi32, #tpu.memory_space<vmem>>) semaphore(%arg8 : memref<!tpu.dma_semaphore, #tpu.memory_space<semaphore_mem>>)
    %scan3A = arith.constant 0 : i32
    %scan3A_31 = arith.constant 24 : i32
    %scan3A_32 = arith.addi %scan3A, %scan3A_31 : i32
    %scan3A_33 = arith.constant 1 : i32
    scf.for %scan3A_64 = %scan3A to %scan3A_32 step %scan3A_33  : i32 {
      %mul3A_65 = arith.constant 2 : i32
      %mul3A_66 = arith.muli %scan3A_64, %mul3A_65 : i32
      %add3A_67 = arith.constant 0 : i32
      %add3A_68 = arith.addi %add3A_67, %mul3A_66 : i32
      %add3A_69 = arith.constant 0 : i32
      %add3A_70 = arith.addi %add3A_68, %add3A_69 : i32
      %mul3A_71 = arith.constant 512 : i32
      %mul3A_72 = arith.muli %add3A_70, %mul3A_71 : i32
      %add3A_73 = arith.addi %mul3A_2, %mul3A_72 : i32
      %dma_wait3A_74 = arith.constant 0 : i32
      %dma_wait3A_75 = arith.constant 0 : i32
      %dma_wait3A_76 = arith.constant 0 : i32
      %dma_wait3A_77 = arith.constant 0 : i32
      %dma_wait3A_78 = tpu.memref_slice %arg6[%dma_wait3A_75, %dma_wait3A_76, %dma_wait3A_77] : memref<2x512x32xf32, #tpu.memory_space<vmem>> -> memref<1x512x32xf32, #tpu.memory_space<vmem>>
      %dma_wait3A_79 = tpu.memref_squeeze %dma_wait3A_78 : memref<1x512x32xf32, #tpu.memory_space<vmem>> -> memref<512x32xf32, #tpu.memory_space<vmem>>
      %dma_wait3A_80 = arith.constant 0 : i32
      %dma_wait3A_81 = tpu.memref_slice %arg5[%dma_wait3A_74, %dma_wait3A_80] : memref<2x512xi32, #tpu.memory_space<vmem>> -> memref<1x512xi32, #tpu.memory_space<vmem>>
      %dma_wait3A_82 = tpu.memref_squeeze %dma_wait3A_81 : memref<1x512xi32, #tpu.memory_space<vmem>> -> memref<512xi32, #tpu.memory_space<vmem>>
      %dma_wait3A_83 = arith.constant 0 : i32
      %dma_wait3A_84 = arith.constant 0 : i32
      %dma_wait3A_85 = tpu.memref_slice %arg3[%dma_wait3A_83, %dma_wait3A_84] : memref<1000000x32xf32, #tpu.memory_space<hbm>> -> memref<1000000x32xf32, #tpu.memory_space<hbm>>
      tpu.wait_indirect_dma semaphore(%arg7 : memref<!tpu.dma_semaphore, #tpu.memory_space<semaphore_mem>>) src(%dma_wait3A_85 : memref<1000000x32xf32, #tpu.memory_space<hbm>>) dst(%dma_wait3A_79 : memref<512x32xf32, #tpu.memory_space<vmem>>)
      %run_scoped3A_86 = arith.constant 0 : i32
      "tpu.region"() ({
        %run_scoped3A_145 = tpu.sem_alloc : memref<!tpu.dma_semaphore, #tpu.memory_space<semaphore_mem>>
        %dma_start3A_146 = arith.constant 0 : i32
        %dma_start3A_147 = arith.constant 0 : i32
        %dma_start3A_148 = tpu.memref_slice %arg6[%run_scoped3A_86, %dma_start3A_146, %dma_start3A_147] : memref<2x512x32xf32, #tpu.memory_space<vmem>> -> memref<1x512x32xf32, #tpu.memory_space<vmem>>
        %dma_start3A_149 = tpu.memref_squeeze %dma_start3A_148 : memref<1x512x32xf32, #tpu.memory_space<vmem>> -> memref<512x32xf32, #tpu.memory_space<vmem>>
        %dma_start3A_150 = arith.constant 0 : i32
        %dma_start3A_151 = tpu.memref_slice %arg4[%add3A_73, %dma_start3A_150] : memref<819200x32xf32, #tpu.memory_space<hbm>> -> memref<512x32xf32, #tpu.memory_space<hbm>>
        %dma_start3A_152 = arith.constant 0 : i32
        %dma_start3A_153 = tpu.memref_slice %arg4[%add3A_73, %dma_start3A_152] : memref<819200x32xf32, #tpu.memory_space<hbm>> -> memref<512x32xf32, #tpu.memory_space<hbm>>
        %dma_start3A_154 = arith.constant 0 : i32
        %dma_start3A_155 = arith.constant 0 : i32
        %dma_start3A_156 = tpu.memref_slice %arg6[%run_scoped3A_86, %dma_start3A_154, %dma_start3A_155] : memref<2x512x32xf32, #tpu.memory_space<vmem>> -> memref<1x512x32xf32, #tpu.memory_space<vmem>>
        %dma_start3A_157 = tpu.memref_squeeze %dma_start3A_156 : memref<1x512x32xf32, #tpu.memory_space<vmem>> -> memref<512x32xf32, #tpu.memory_space<vmem>>
        tpu.enqueue_dma source(%dma_start3A_157 : memref<512x32xf32, #tpu.memory_space<vmem>>) target(%dma_start3A_153 : memref<512x32xf32, #tpu.memory_space<hbm>>) target_semaphore(%run_scoped3A_145 : memref<!tpu.dma_semaphore, #tpu.memory_space<semaphore_mem>>)
        %dma_wait3A_158 = arith.constant 0 : i32
        %dma_wait3A_159 = arith.constant 0 : i32
        %dma_wait3A_160 = tpu.memref_slice %arg6[%run_scoped3A_86, %dma_wait3A_158, %dma_wait3A_159] : memref<2x512x32xf32, #tpu.memory_space<vmem>> -> memref<1x512x32xf32, #tpu.memory_space<vmem>>
        %dma_wait3A_161 = tpu.memref_squeeze %dma_wait3A_160 : memref<1x512x32xf32, #tpu.memory_space<vmem>> -> memref<512x32xf32, #tpu.memory_space<vmem>>
        %dma_wait3A_162 = arith.constant 0 : i32
        %dma_wait3A_163 = tpu.memref_slice %arg4[%add3A_73, %dma_wait3A_162] : memref<819200x32xf32, #tpu.memory_space<hbm>> -> memref<512x32xf32, #tpu.memory_space<hbm>>
        %dma_wait3A_164 = arith.constant 0 : i32
        %dma_wait3A_165 = tpu.memref_slice %arg4[%add3A_73, %dma_wait3A_164] : memref<819200x32xf32, #tpu.memory_space<hbm>> -> memref<512x32xf32, #tpu.memory_space<hbm>>
        %dma_wait3A_166 = arith.constant 0 : i32
        %dma_wait3A_167 = arith.constant 0 : i32
        %dma_wait3A_168 = tpu.memref_slice %arg6[%run_scoped3A_86, %dma_wait3A_166, %dma_wait3A_167] : memref<2x512x32xf32, #tpu.memory_space<vmem>> -> memref<1x512x32xf32, #tpu.memory_space<vmem>>
        %dma_wait3A_169 = tpu.memref_squeeze %dma_wait3A_168 : memref<1x512x32xf32, #tpu.memory_space<vmem>> -> memref<512x32xf32, #tpu.memory_space<vmem>>
        tpu.wait_dma2 semaphore(%run_scoped3A_145 : memref<!tpu.dma_semaphore, #tpu.memory_space<semaphore_mem>>) src(%dma_wait3A_169 : memref<512x32xf32, #tpu.memory_space<vmem>>) dst(%dma_wait3A_165 : memref<512x32xf32, #tpu.memory_space<hbm>>)
        tpu.yield
      }) : () -> ()
      %add3A_87 = arith.constant 2 : i32
      %add3A_88 = arith.addi %add3A_68, %add3A_87 : i32
      %add3A_89 = arith.constant 0 : i32
      %add3A_90 = arith.addi %add3A_88, %add3A_89 : i32
      %mul3A_91 = arith.constant 512 : i32
      %mul3A_92 = arith.muli %add3A_90, %mul3A_91 : i32
      %add3A_93 = arith.addi %mul3A_2, %mul3A_92 : i32
      %run_scoped3A_94 = arith.constant 0 : i32
      "tpu.region"() ({
        %run_scoped3A_145 = tpu.sem_alloc : memref<!tpu.dma_semaphore, #tpu.memory_space<semaphore_mem>>
        %dma_start3A_146 = arith.constant 0 : i32
        %dma_start3A_147 = tpu.memref_slice %arg5[%run_scoped3A_94, %dma_start3A_146] : memref<2x512xi32, #tpu.memory_space<vmem>> -> memref<1x512xi32, #tpu.memory_space<vmem>>
        %dma_start3A_148 = tpu.memref_squeeze %dma_start3A_147 : memref<1x512xi32, #tpu.memory_space<vmem>> -> memref<512xi32, #tpu.memory_space<vmem>>
        %dma_start3A_149 = tpu.memref_slice %arg2[%add3A_93] : memref<819200xi32, #tpu.memory_space<hbm>> -> memref<512xi32, #tpu.memory_space<hbm>>
        %dma_start3A_150 = arith.constant 0 : i32
        %dma_start3A_151 = tpu.memref_slice %arg5[%run_scoped3A_94, %dma_start3A_150] : memref<2x512xi32, #tpu.memory_space<vmem>> -> memref<1x512xi32, #tpu.memory_space<vmem>>
        %dma_start3A_152 = tpu.memref_squeeze %dma_start3A_151 : memref<1x512xi32, #tpu.memory_space<vmem>> -> memref<512xi32, #tpu.memory_space<vmem>>
        %dma_start3A_153 = tpu.memref_slice %arg2[%add3A_93] : memref<819200xi32, #tpu.memory_space<hbm>> -> memref<512xi32, #tpu.memory_space<hbm>>
        tpu.enqueue_dma source(%dma_start3A_153 : memref<512xi32, #tpu.memory_space<hbm>>) target(%dma_start3A_152 : memref<512xi32, #tpu.memory_space<vmem>>) target_semaphore(%run_scoped3A_145 : memref<!tpu.dma_semaphore, #tpu.memory_space<semaphore_mem>>)
        %dma_wait3A_154 = arith.constant 0 : i32
        %dma_wait3A_155 = tpu.memref_slice %arg5[%run_scoped3A_94, %dma_wait3A_154] : memref<2x512xi32, #tpu.memory_space<vmem>> -> memref<1x512xi32, #tpu.memory_space<vmem>>
        %dma_wait3A_156 = tpu.memref_squeeze %dma_wait3A_155 : memref<1x512xi32, #tpu.memory_space<vmem>> -> memref<512xi32, #tpu.memory_space<vmem>>
        %dma_wait3A_157 = tpu.memref_slice %arg2[%add3A_93] : memref<819200xi32, #tpu.memory_space<hbm>> -> memref<512xi32, #tpu.memory_space<hbm>>
        %dma_wait3A_158 = arith.constant 0 : i32
        %dma_wait3A_159 = tpu.memref_slice %arg5[%run_scoped3A_94, %dma_wait3A_158] : memref<2x512xi32, #tpu.memory_space<vmem>> -> memref<1x512xi32, #tpu.memory_space<vmem>>
        %dma_wait3A_160 = tpu.memref_squeeze %dma_wait3A_159 : memref<1x512xi32, #tpu.memory_space<vmem>> -> memref<512xi32, #tpu.memory_space<vmem>>
        %dma_wait3A_161 = tpu.memref_slice %arg2[%add3A_93] : memref<819200xi32, #tpu.memory_space<hbm>> -> memref<512xi32, #tpu.memory_space<hbm>>
        tpu.wait_dma2 semaphore(%run_scoped3A_145 : memref<!tpu.dma_semaphore, #tpu.memory_space<semaphore_mem>>) src(%dma_wait3A_161 : memref<512xi32, #tpu.memory_space<hbm>>) dst(%dma_wait3A_160 : memref<512xi32, #tpu.memory_space<vmem>>)
        tpu.yield
      }) : () -> ()
      %dma_start3A_95 = arith.constant 0 : i32
      %dma_start3A_96 = arith.constant 0 : i32
      %dma_start3A_97 = arith.constant 0 : i32
      %dma_start3A_98 = arith.constant 0 : i32
      %dma_start3A_99 = tpu.memref_slice %arg6[%dma_start3A_96, %dma_start3A_97, %dma_start3A_98] : memref<2x512x32xf32, #tpu.memory_space<vmem>> -> memref<1x512x32xf32, #tpu.memory_space<vmem>>
      %dma_start3A_100 = tpu.memref_squeeze %dma_start3A_99 : memref<1x512x32xf32, #tpu.memory_space<vmem>> -> memref<512x32xf32, #tpu.memory_space<vmem>>
      %dma_start3A_101 = arith.constant 0 : i32
      %dma_start3A_102 = tpu.memref_slice %arg5[%dma_start3A_95, %dma_start3A_101] : memref<2x512xi32, #tpu.memory_space<vmem>> -> memref<1x512xi32, #tpu.memory_space<vmem>>
      %dma_start3A_103 = tpu.memref_squeeze %dma_start3A_102 : memref<1x512xi32, #tpu.memory_space<vmem>> -> memref<512xi32, #tpu.memory_space<vmem>>
      %dma_start3A_104 = arith.constant 0 : i32
      %dma_start3A_105 = arith.constant 0 : i32
      %dma_start3A_106 = tpu.memref_slice %arg3[%dma_start3A_104, %dma_start3A_105] : memref<1000000x32xf32, #tpu.memory_space<hbm>> -> memref<1000000x32xf32, #tpu.memory_space<hbm>>
      tpu.enqueue_indirect_dma source(%dma_start3A_106 : memref<1000000x32xf32, #tpu.memory_space<hbm>>) target(%dma_start3A_100 : memref<512x32xf32, #tpu.memory_space<vmem>>) offsets(%dma_start3A_103 : memref<512xi32, #tpu.memory_space<vmem>>) semaphore(%arg7 : memref<!tpu.dma_semaphore, #tpu.memory_space<semaphore_mem>>)
      %add3A_107 = arith.constant 1 : i32
      %add3A_108 = arith.addi %add3A_68, %add3A_107 : i32
      %mul3A_109 = arith.constant 512 : i32
      %mul3A_110 = arith.muli %add3A_108, %mul3A_109 : i32
      %add3A_111 = arith.addi %mul3A_2, %mul3A_110 : i32
      %dma_wait3A_112 = arith.constant 1 : i32
      %dma_wait3A_113 = arith.constant 1 : i32
      %dma_wait3A_114 = arith.constant 0 : i32
      %dma_wait3A_115 = arith.constant 0 : i32
      %dma_wait3A_116 = tpu.memref_slice %arg6[%dma_wait3A_113, %dma_wait3A_114, %dma_wait3A_115] : memref<2x512x32xf32, #tpu.memory_space<vmem>> -> memref<1x512x32xf32, #tpu.memory_space<vmem>>
      %dma_wait3A_117 = tpu.memref_squeeze %dma_wait3A_116 : memref<1x512x32xf32, #tpu.memory_space<vmem>> -> memref<512x32xf32, #tpu.memory_space<vmem>>
      %dma_wait3A_118 = arith.constant 0 : i32
      %dma_wait3A_119 = tpu.memref_slice %arg5[%dma_wait3A_112, %dma_wait3A_118] : memref<2x512xi32, #tpu.memory_space<vmem>> -> memref<1x512xi32, #tpu.memory_space<vmem>>
      %dma_wait3A_120 = tpu.memref_squeeze %dma_wait3A_119 : memref<1x512xi32, #tpu.memory_space<vmem>> -> memref<512xi32, #tpu.memory_space<vmem>>
      %dma_wait3A_121 = arith.constant 0 : i32
      %dma_wait3A_122 = arith.constant 0 : i32
      %dma_wait3A_123 = tpu.memref_slice %arg3[%dma_wait3A_121, %dma_wait3A_122] : memref<1000000x32xf32, #tpu.memory_space<hbm>> -> memref<1000000x32xf32, #tpu.memory_space<hbm>>
      tpu.wait_indirect_dma semaphore(%arg8 : memref<!tpu.dma_semaphore, #tpu.memory_space<semaphore_mem>>) src(%dma_wait3A_123 : memref<1000000x32xf32, #tpu.memory_space<hbm>>) dst(%dma_wait3A_117 : memref<512x32xf32, #tpu.memory_space<vmem>>)
      %run_scoped3A_124 = arith.constant 1 : i32
      "tpu.region"() ({
        %run_scoped3A_145 = tpu.sem_alloc : memref<!tpu.dma_semaphore, #tpu.memory_space<semaphore_mem>>
        %dma_start3A_146 = arith.constant 0 : i32
        %dma_start3A_147 = arith.constant 0 : i32
        %dma_start3A_148 = tpu.memref_slice %arg6[%run_scoped3A_124, %dma_start3A_146, %dma_start3A_147] : memref<2x512x32xf32, #tpu.memory_space<vmem>> -> memref<1x512x32xf32, #tpu.memory_space<vmem>>
        %dma_start3A_149 = tpu.memref_squeeze %dma_start3A_148 : memref<1x512x32xf32, #tpu.memory_space<vmem>> -> memref<512x32xf32, #tpu.memory_space<vmem>>
        %dma_start3A_150 = arith.constant 0 : i32
        %dma_start3A_151 = tpu.memref_slice %arg4[%add3A_111, %dma_start3A_150] : memref<819200x32xf32, #tpu.memory_space<hbm>> -> memref<512x32xf32, #tpu.memory_space<hbm>>
        %dma_start3A_152 = arith.constant 0 : i32
        %dma_start3A_153 = tpu.memref_slice %arg4[%add3A_111, %dma_start3A_152] : memref<819200x32xf32, #tpu.memory_space<hbm>> -> memref<512x32xf32, #tpu.memory_space<hbm>>
        %dma_start3A_154 = arith.constant 0 : i32
        %dma_start3A_155 = arith.constant 0 : i32
        %dma_start3A_156 = tpu.memref_slice %arg6[%run_scoped3A_124, %dma_start3A_154, %dma_start3A_155] : memref<2x512x32xf32, #tpu.memory_space<vmem>> -> memref<1x512x32xf32, #tpu.memory_space<vmem>>
        %dma_start3A_157 = tpu.memref_squeeze %dma_start3A_156 : memref<1x512x32xf32, #tpu.memory_space<vmem>> -> memref<512x32xf32, #tpu.memory_space<vmem>>
        tpu.enqueue_dma source(%dma_start3A_157 : memref<512x32xf32, #tpu.memory_space<vmem>>) target(%dma_start3A_153 : memref<512x32xf32, #tpu.memory_space<hbm>>) target_semaphore(%run_scoped3A_145 : memref<!tpu.dma_semaphore, #tpu.memory_space<semaphore_mem>>)
        %dma_wait3A_158 = arith.constant 0 : i32
        %dma_wait3A_159 = arith.constant 0 : i32
        %dma_wait3A_160 = tpu.memref_slice %arg6[%run_scoped3A_124, %dma_wait3A_158, %dma_wait3A_159] : memref<2x512x32xf32, #tpu.memory_space<vmem>> -> memref<1x512x32xf32, #tpu.memory_space<vmem>>
        %dma_wait3A_161 = tpu.memref_squeeze %dma_wait3A_160 : memref<1x512x32xf32, #tpu.memory_space<vmem>> -> memref<512x32xf32, #tpu.memory_space<vmem>>
        %dma_wait3A_162 = arith.constant 0 : i32
        %dma_wait3A_163 = tpu.memref_slice %arg4[%add3A_111, %dma_wait3A_162] : memref<819200x32xf32, #tpu.memory_space<hbm>> -> memref<512x32xf32, #tpu.memory_space<hbm>>
        %dma_wait3A_164 = arith.constant 0 : i32
        %dma_wait3A_165 = tpu.memref_slice %arg4[%add3A_111, %dma_wait3A_164] : memref<819200x32xf32, #tpu.memory_space<hbm>> -> memref<512x32xf32, #tpu.memory_space<hbm>>
        %dma_wait3A_166 = arith.constant 0 : i32
        %dma_wait3A_167 = arith.constant 0 : i32
        %dma_wait3A_168 = tpu.memref_slice %arg6[%run_scoped3A_124, %dma_wait3A_166, %dma_wait3A_167] : memref<2x512x32xf32, #tpu.memory_space<vmem>> -> memref<1x512x32xf32, #tpu.memory_space<vmem>>
        %dma_wait3A_169 = tpu.memref_squeeze %dma_wait3A_168 : memref<1x512x32xf32, #tpu.memory_space<vmem>> -> memref<512x32xf32, #tpu.memory_space<vmem>>
        tpu.wait_dma2 semaphore(%run_scoped3A_145 : memref<!tpu.dma_semaphore, #tpu.memory_space<semaphore_mem>>) src(%dma_wait3A_169 : memref<512x32xf32, #tpu.memory_space<vmem>>) dst(%dma_wait3A_165 : memref<512x32xf32, #tpu.memory_space<hbm>>)
        tpu.yield
      }) : () -> ()
      %add3A_125 = arith.constant 2 : i32
      %add3A_126 = arith.addi %add3A_68, %add3A_125 : i32
      %add3A_127 = arith.constant 1 : i32
      %add3A_128 = arith.addi %add3A_126, %add3A_127 : i32
      %mul3A_129 = arith.constant 512 : i32
      %mul3A_130 = arith.muli %add3A_128, %mul3A_129 : i32
      %add3A_131 = arith.addi %mul3A_2, %mul3A_130 : i32
      %run_scoped3A_132 = arith.constant 1 : i32
      "tpu.region"() ({
        %run_scoped3A_145 = tpu.sem_alloc : memref<!tpu.dma_semaphore, #tpu.memory_space<semaphore_mem>>
        %dma_start3A_146 = arith.constant 0 : i32
        %dma_start3A_147 = tpu.memref_slice %arg5[%run_scoped3A_132, %dma_start3A_146] : memref<2x512xi32, #tpu.memory_space<vmem>> -> memref<1x512xi32, #tpu.memory_space<vmem>>
        %dma_start3A_148 = tpu.memref_squeeze %dma_start3A_147 : memref<1x512xi32, #tpu.memory_space<vmem>> -> memref<512xi32, #tpu.memory_space<vmem>>
        %dma_start3A_149 = tpu.memref_slice %arg2[%add3A_131] : memref<819200xi32, #tpu.memory_space<hbm>> -> memref<512xi32, #tpu.memory_space<hbm>>
        %dma_start3A_150 = arith.constant 0 : i32
        %dma_start3A_151 = tpu.memref_slice %arg5[%run_scoped3A_132, %dma_start3A_150] : memref<2x512xi32, #tpu.memory_space<vmem>> -> memref<1x512xi32, #tpu.memory_space<vmem>>
        %dma_start3A_152 = tpu.memref_squeeze %dma_start3A_151 : memref<1x512xi32, #tpu.memory_space<vmem>> -> memref<512xi32, #tpu.memory_space<vmem>>
        %dma_start3A_153 = tpu.memref_slice %arg2[%add3A_131] : memref<819200xi32, #tpu.memory_space<hbm>> -> memref<512xi32, #tpu.memory_space<hbm>>
        tpu.enqueue_dma source(%dma_start3A_153 : memref<512xi32, #tpu.memory_space<hbm>>) target(%dma_start3A_152 : memref<512xi32, #tpu.memory_space<vmem>>) target_semaphore(%run_scoped3A_145 : memref<!tpu.dma_semaphore, #tpu.memory_space<semaphore_mem>>)
        %dma_wait3A_154 = arith.constant 0 : i32
        %dma_wait3A_155 = tpu.memref_slice %arg5[%run_scoped3A_132, %dma_wait3A_154] : memref<2x512xi32, #tpu.memory_space<vmem>> -> memref<1x512xi32, #tpu.memory_space<vmem>>
        %dma_wait3A_156 = tpu.memref_squeeze %dma_wait3A_155 : memref<1x512xi32, #tpu.memory_space<vmem>> -> memref<512xi32, #tpu.memory_space<vmem>>
        %dma_wait3A_157 = tpu.memref_slice %arg2[%add3A_131] : memref<819200xi32, #tpu.memory_space<hbm>> -> memref<512xi32, #tpu.memory_space<hbm>>
        %dma_wait3A_158 = arith.constant 0 : i32
        %dma_wait3A_159 = tpu.memref_slice %arg5[%run_scoped3A_132, %dma_wait3A_158] : memref<2x512xi32, #tpu.memory_space<vmem>> -> memref<1x512xi32, #tpu.memory_space<vmem>>
        %dma_wait3A_160 = tpu.memref_squeeze %dma_wait3A_159 : memref<1x512xi32, #tpu.memory_space<vmem>> -> memref<512xi32, #tpu.memory_space<vmem>>
        %dma_wait3A_161 = tpu.memref_slice %arg2[%add3A_131] : memref<819200xi32, #tpu.memory_space<hbm>> -> memref<512xi32, #tpu.memory_space<hbm>>
        tpu.wait_dma2 semaphore(%run_scoped3A_145 : memref<!tpu.dma_semaphore, #tpu.memory_space<semaphore_mem>>) src(%dma_wait3A_161 : memref<512xi32, #tpu.memory_space<hbm>>) dst(%dma_wait3A_160 : memref<512xi32, #tpu.memory_space<vmem>>)
        tpu.yield
      }) : () -> ()
      %dma_start3A_133 = arith.constant 1 : i32
      %dma_start3A_134 = arith.constant 1 : i32
      %dma_start3A_135 = arith.constant 0 : i32
      %dma_start3A_136 = arith.constant 0 : i32
      %dma_start3A_137 = tpu.memref_slice %arg6[%dma_start3A_134, %dma_start3A_135, %dma_start3A_136] : memref<2x512x32xf32, #tpu.memory_space<vmem>> -> memref<1x512x32xf32, #tpu.memory_space<vmem>>
      %dma_start3A_138 = tpu.memref_squeeze %dma_start3A_137 : memref<1x512x32xf32, #tpu.memory_space<vmem>> -> memref<512x32xf32, #tpu.memory_space<vmem>>
      %dma_start3A_139 = arith.constant 0 : i32
      %dma_start3A_140 = tpu.memref_slice %arg5[%dma_start3A_133, %dma_start3A_139] : memref<2x512xi32, #tpu.memory_space<vmem>> -> memref<1x512xi32, #tpu.memory_space<vmem>>
      %dma_start3A_141 = tpu.memref_squeeze %dma_start3A_140 : memref<1x512xi32, #tpu.memory_space<vmem>> -> memref<512xi32, #tpu.memory_space<vmem>>
      %dma_start3A_142 = arith.constant 0 : i32
      %dma_start3A_143 = arith.constant 0 : i32
      %dma_start3A_144 = tpu.memref_slice %arg3[%dma_start3A_142, %dma_start3A_143] : memref<1000000x32xf32, #tpu.memory_space<hbm>> -> memref<1000000x32xf32, #tpu.memory_space<hbm>>
      tpu.enqueue_indirect_dma source(%dma_start3A_144 : memref<1000000x32xf32, #tpu.memory_space<hbm>>) target(%dma_start3A_138 : memref<512x32xf32, #tpu.memory_space<vmem>>) offsets(%dma_start3A_141 : memref<512xi32, #tpu.memory_space<vmem>>) semaphore(%arg8 : memref<!tpu.dma_semaphore, #tpu.memory_space<semaphore_mem>>)
    }
    %scan3A_34 = arith.constant 24 : i32
    %add3A_35 = arith.constant 24576 : i32
    %add3A_36 = arith.addi %mul3A_2, %add3A_35 : i32
    %dma_wait3A = arith.constant 0 : i32
    %dma_wait3A_37 = arith.constant 0 : i32
    %dma_wait3A_38 = arith.constant 0 : i32
    %dma_wait3A_39 = arith.constant 0 : i32
    %dma_wait3A_40 = tpu.memref_slice %arg6[%dma_wait3A_37, %dma_wait3A_38, %dma_wait3A_39] : memref<2x512x32xf32, #tpu.memory_space<vmem>> -> memref<1x512x32xf32, #tpu.memory_space<vmem>>
    %dma_wait3A_41 = tpu.memref_squeeze %dma_wait3A_40 : memref<1x512x32xf32, #tpu.memory_space<vmem>> -> memref<512x32xf32, #tpu.memory_space<vmem>>
    %dma_wait3A_42 = arith.constant 0 : i32
    %dma_wait3A_43 = tpu.memref_slice %arg5[%dma_wait3A, %dma_wait3A_42] : memref<2x512xi32, #tpu.memory_space<vmem>> -> memref<1x512xi32, #tpu.memory_space<vmem>>
    %dma_wait3A_44 = tpu.memref_squeeze %dma_wait3A_43 : memref<1x512xi32, #tpu.memory_space<vmem>> -> memref<512xi32, #tpu.memory_space<vmem>>
    %dma_wait3A_45 = arith.constant 0 : i32
    %dma_wait3A_46 = arith.constant 0 : i32
    %dma_wait3A_47 = tpu.memref_slice %arg3[%dma_wait3A_45, %dma_wait3A_46] : memref<1000000x32xf32, #tpu.memory_space<hbm>> -> memref<1000000x32xf32, #tpu.memory_space<hbm>>
    tpu.wait_indirect_dma semaphore(%arg7 : memref<!tpu.dma_semaphore, #tpu.memory_space<semaphore_mem>>) src(%dma_wait3A_47 : memref<1000000x32xf32, #tpu.memory_space<hbm>>) dst(%dma_wait3A_41 : memref<512x32xf32, #tpu.memory_space<vmem>>)
    %run_scoped3A_48 = arith.constant 0 : i32
    "tpu.region"() ({
      %run_scoped3A_64 = tpu.sem_alloc : memref<!tpu.dma_semaphore, #tpu.memory_space<semaphore_mem>>
      %dma_start3A_65 = arith.constant 0 : i32
      %dma_start3A_66 = arith.constant 0 : i32
      %dma_start3A_67 = tpu.memref_slice %arg6[%run_scoped3A_48, %dma_start3A_65, %dma_start3A_66] : memref<2x512x32xf32, #tpu.memory_space<vmem>> -> memref<1x512x32xf32, #tpu.memory_space<vmem>>
      %dma_start3A_68 = tpu.memref_squeeze %dma_start3A_67 : memref<1x512x32xf32, #tpu.memory_space<vmem>> -> memref<512x32xf32, #tpu.memory_space<vmem>>
      %dma_start3A_69 = arith.constant 0 : i32
      %dma_start3A_70 = tpu.memref_slice %arg4[%add3A_36, %dma_start3A_69] : memref<819200x32xf32, #tpu.memory_space<hbm>> -> memref<512x32xf32, #tpu.memory_space<hbm>>
      %dma_start3A_71 = arith.constant 0 : i32
      %dma_start3A_72 = tpu.memref_slice %arg4[%add3A_36, %dma_start3A_71] : memref<819200x32xf32, #tpu.memory_space<hbm>> -> memref<512x32xf32, #tpu.memory_space<hbm>>
      %dma_start3A_73 = arith.constant 0 : i32
      %dma_start3A_74 = arith.constant 0 : i32
      %dma_start3A_75 = tpu.memref_slice %arg6[%run_scoped3A_48, %dma_start3A_73, %dma_start3A_74] : memref<2x512x32xf32, #tpu.memory_space<vmem>> -> memref<1x512x32xf32, #tpu.memory_space<vmem>>
      %dma_start3A_76 = tpu.memref_squeeze %dma_start3A_75 : memref<1x512x32xf32, #tpu.memory_space<vmem>> -> memref<512x32xf32, #tpu.memory_space<vmem>>
      tpu.enqueue_dma source(%dma_start3A_76 : memref<512x32xf32, #tpu.memory_space<vmem>>) target(%dma_start3A_72 : memref<512x32xf32, #tpu.memory_space<hbm>>) target_semaphore(%run_scoped3A_64 : memref<!tpu.dma_semaphore, #tpu.memory_space<semaphore_mem>>)
      %dma_wait3A_77 = arith.constant 0 : i32
      %dma_wait3A_78 = arith.constant 0 : i32
      %dma_wait3A_79 = tpu.memref_slice %arg6[%run_scoped3A_48, %dma_wait3A_77, %dma_wait3A_78] : memref<2x512x32xf32, #tpu.memory_space<vmem>> -> memref<1x512x32xf32, #tpu.memory_space<vmem>>
      %dma_wait3A_80 = tpu.memref_squeeze %dma_wait3A_79 : memref<1x512x32xf32, #tpu.memory_space<vmem>> -> memref<512x32xf32, #tpu.memory_space<vmem>>
      %dma_wait3A_81 = arith.constant 0 : i32
      %dma_wait3A_82 = tpu.memref_slice %arg4[%add3A_36, %dma_wait3A_81] : memref<819200x32xf32, #tpu.memory_space<hbm>> -> memref<512x32xf32, #tpu.memory_space<hbm>>
      %dma_wait3A_83 = arith.constant 0 : i32
      %dma_wait3A_84 = tpu.memref_slice %arg4[%add3A_36, %dma_wait3A_83] : memref<819200x32xf32, #tpu.memory_space<hbm>> -> memref<512x32xf32, #tpu.memory_space<hbm>>
      %dma_wait3A_85 = arith.constant 0 : i32
      %dma_wait3A_86 = arith.constant 0 : i32
      %dma_wait3A_87 = tpu.memref_slice %arg6[%run_scoped3A_48, %dma_wait3A_85, %dma_wait3A_86] : memref<2x512x32xf32, #tpu.memory_space<vmem>> -> memref<1x512x32xf32, #tpu.memory_space<vmem>>
      %dma_wait3A_88 = tpu.memref_squeeze %dma_wait3A_87 : memref<1x512x32xf32, #tpu.memory_space<vmem>> -> memref<512x32xf32, #tpu.memory_space<vmem>>
      tpu.wait_dma2 semaphore(%run_scoped3A_64 : memref<!tpu.dma_semaphore, #tpu.memory_space<semaphore_mem>>) src(%dma_wait3A_88 : memref<512x32xf32, #tpu.memory_space<vmem>>) dst(%dma_wait3A_84 : memref<512x32xf32, #tpu.memory_space<hbm>>)
      tpu.yield
    }) : () -> ()
    %add3A_49 = arith.constant 25088 : i32
    %add3A_50 = arith.addi %mul3A_2, %add3A_49 : i32
    %dma_wait3A_51 = arith.constant 1 : i32
    %dma_wait3A_52 = arith.constant 1 : i32
    %dma_wait3A_53 = arith.constant 0 : i32
    %dma_wait3A_54 = arith.constant 0 : i32
    %dma_wait3A_55 = tpu.memref_slice %arg6[%dma_wait3A_52, %dma_wait3A_53, %dma_wait3A_54] : memref<2x512x32xf32, #tpu.memory_space<vmem>> -> memref<1x512x32xf32, #tpu.memory_space<vmem>>
    %dma_wait3A_56 = tpu.memref_squeeze %dma_wait3A_55 : memref<1x512x32xf32, #tpu.memory_space<vmem>> -> memref<512x32xf32, #tpu.memory_space<vmem>>
    %dma_wait3A_57 = arith.constant 0 : i32
    %dma_wait3A_58 = tpu.memref_slice %arg5[%dma_wait3A_51, %dma_wait3A_57] : memref<2x512xi32, #tpu.memory_space<vmem>> -> memref<1x512xi32, #tpu.memory_space<vmem>>
    %dma_wait3A_59 = tpu.memref_squeeze %dma_wait3A_58 : memref<1x512xi32, #tpu.memory_space<vmem>> -> memref<512xi32, #tpu.memory_space<vmem>>
    %dma_wait3A_60 = arith.constant 0 : i32
    %dma_wait3A_61 = arith.constant 0 : i32
    %dma_wait3A_62 = tpu.memref_slice %arg3[%dma_wait3A_60, %dma_wait3A_61] : memref<1000000x32xf32, #tpu.memory_space<hbm>> -> memref<1000000x32xf32, #tpu.memory_space<hbm>>
    tpu.wait_indirect_dma semaphore(%arg8 : memref<!tpu.dma_semaphore, #tpu.memory_space<semaphore_mem>>) src(%dma_wait3A_62 : memref<1000000x32xf32, #tpu.memory_space<hbm>>) dst(%dma_wait3A_56 : memref<512x32xf32, #tpu.memory_space<vmem>>)
    %run_scoped3A_63 = arith.constant 1 : i32
    "tpu.region"() ({
      %run_scoped3A_64 = tpu.sem_alloc : memref<!tpu.dma_semaphore, #tpu.memory_space<semaphore_mem>>
      %dma_start3A_65 = arith.constant 0 : i32
      %dma_start3A_66 = arith.constant 0 : i32
      %dma_start3A_67 = tpu.memref_slice %arg6[%run_scoped3A_63, %dma_start3A_65, %dma_start3A_66] : memref<2x512x32xf32, #tpu.memory_space<vmem>> -> memref<1x512x32xf32, #tpu.memory_space<vmem>>
      %dma_start3A_68 = tpu.memref_squeeze %dma_start3A_67 : memref<1x512x32xf32, #tpu.memory_space<vmem>> -> memref<512x32xf32, #tpu.memory_space<vmem>>
      %dma_start3A_69 = arith.constant 0 : i32
      %dma_start3A_70 = tpu.memref_slice %arg4[%add3A_50, %dma_start3A_69] : memref<819200x32xf32, #tpu.memory_space<hbm>> -> memref<512x32xf32, #tpu.memory_space<hbm>>
      %dma_start3A_71 = arith.constant 0 : i32
      %dma_start3A_72 = tpu.memref_slice %arg4[%add3A_50, %dma_start3A_71] : memref<819200x32xf32, #tpu.memory_space<hbm>> -> memref<512x32xf32, #tpu.memory_space<hbm>>
      %dma_start3A_73 = arith.constant 0 : i32
      %dma_start3A_74 = arith.constant 0 : i32
      %dma_start3A_75 = tpu.memref_slice %arg6[%run_scoped3A_63, %dma_start3A_73, %dma_start3A_74] : memref<2x512x32xf32, #tpu.memory_space<vmem>> -> memref<1x512x32xf32, #tpu.memory_space<vmem>>
      %dma_start3A_76 = tpu.memref_squeeze %dma_start3A_75 : memref<1x512x32xf32, #tpu.memory_space<vmem>> -> memref<512x32xf32, #tpu.memory_space<vmem>>
      tpu.enqueue_dma source(%dma_start3A_76 : memref<512x32xf32, #tpu.memory_space<vmem>>) target(%dma_start3A_72 : memref<512x32xf32, #tpu.memory_space<hbm>>) target_semaphore(%run_scoped3A_64 : memref<!tpu.dma_semaphore, #tpu.memory_space<semaphore_mem>>)
      %dma_wait3A_77 = arith.constant 0 : i32
      %dma_wait3A_78 = arith.constant 0 : i32
      %dma_wait3A_79 = tpu.memref_slice %arg6[%run_scoped3A_63, %dma_wait3A_77, %dma_wait3A_78] : memref<2x512x32xf32, #tpu.memory_space<vmem>> -> memref<1x512x32xf32, #tpu.memory_space<vmem>>
      %dma_wait3A_80 = tpu.memref_squeeze %dma_wait3A_79 : memref<1x512x32xf32, #tpu.memory_space<vmem>> -> memref<512x32xf32, #tpu.memory_space<vmem>>
      %dma_wait3A_81 = arith.constant 0 : i32
      %dma_wait3A_82 = tpu.memref_slice %arg4[%add3A_50, %dma_wait3A_81] : memref<819200x32xf32, #tpu.memory_space<hbm>> -> memref<512x32xf32, #tpu.memory_space<hbm>>
      %dma_wait3A_83 = arith.constant 0 : i32
      %dma_wait3A_84 = tpu.memref_slice %arg4[%add3A_50, %dma_wait3A_83] : memref<819200x32xf32, #tpu.memory_space<hbm>> -> memref<512x32xf32, #tpu.memory_space<hbm>>
      %dma_wait3A_85 = arith.constant 0 : i32
      %dma_wait3A_86 = arith.constant 0 : i32
      %dma_wait3A_87 = tpu.memref_slice %arg6[%run_scoped3A_63, %dma_wait3A_85, %dma_wait3A_86] : memref<2x512x32xf32, #tpu.memory_space<vmem>> -> memref<1x512x32xf32, #tpu.memory_space<vmem>>
      %dma_wait3A_88 = tpu.memref_squeeze %dma_wait3A_87 : memref<1x512x32xf32, #tpu.memory_space<vmem>> -> memref<512x32xf32, #tpu.memory_space<vmem>>
      tpu.wait_dma2 semaphore(%run_scoped3A_64 : memref<!tpu.dma_semaphore, #tpu.memory_space<semaphore_mem>>) src(%dma_wait3A_88 : memref<512x32xf32, #tpu.memory_space<vmem>>) dst(%dma_wait3A_84 : memref<512x32xf32, #tpu.memory_space<hbm>>)
      tpu.yield
    }) : () -> ()
    return
  }
}

#map = affine_map<(d0, d1) -> (0, 0)>
#map1 = affine_map<(d0, d1) -> (0)>
module attributes {stable_mosaic.version = 14 : i64} {
  func.func @transpose_kernel(%arg0: i32, %arg1: i32, %arg2: memref<32x1000000xf32, #tpu.memory_space<hbm>>, %arg3: memref<2048xf32, #tpu.memory_space<hbm>>, %arg4: memref<32000000xf32, #tpu.memory_space<hbm>>, %arg5: memref<32x512xf32, #tpu.memory_space<vmem>>, %arg6: memref<32x512xf32, #tpu.memory_space<vmem>>, %arg7: memref<16384xf32, #tpu.memory_space<vmem>>, %arg8: memref<16384xf32, #tpu.memory_space<vmem>>, %arg9: memref<!tpu.dma_semaphore, #tpu.memory_space<semaphore_mem>>, %arg10: memref<!tpu.dma_semaphore, #tpu.memory_space<semaphore_mem>>, %arg11: memref<!tpu.dma_semaphore, #tpu.memory_space<semaphore_mem>>, %arg12: memref<!tpu.dma_semaphore, #tpu.memory_space<semaphore_mem>>) attributes {dimension_semantics = [#tpu.dimension_semantics<core_parallel>, #tpu.dimension_semantics<subcore_parallel>], iteration_bounds = array<i64: 2, 16>, scalar_prefetch = 0 : i64, scratch_operands = 8 : i64, tpu.core_type = #tpu.core_type<sc_vector_subcore>, window_params = [{transform_indices = #map}, {transform_indices = #map1}, {transform_indices = #map1}]} {
    %mul3A = arith.constant 2 : i32
    %mul3A_0 = arith.muli %arg1, %mul3A : i32
    %add3A = arith.addi %mul3A_0, %arg0 : i32
    %iota3A = tpu.iota {dimensions = array<i32: 0>} : vector<16xi32>
    %add3A_1 = arith.constant 0 : i32
    %add3A_2 = arith.addi %add3A, %add3A_1 : i32
    %mul3A_3 = arith.constant 512 : i32
    %mul3A_4 = arith.muli %add3A_2, %mul3A_3 : i32
    %dma_start3A = arith.constant 0 : i32
    %dma_start3A_5 = tpu.memref_slice %arg2[%dma_start3A, %mul3A_4] : memref<32x1000000xf32, #tpu.memory_space<hbm>> -> memref<32x512xf32, #tpu.memory_space<hbm>>
    %dma_start3A_6 = arith.constant 0 : i32
    %dma_start3A_7 = tpu.memref_slice %arg2[%dma_start3A_6, %mul3A_4] : memref<32x1000000xf32, #tpu.memory_space<hbm>> -> memref<32x512xf32, #tpu.memory_space<hbm>>
    tpu.enqueue_dma source(%dma_start3A_7 : memref<32x512xf32, #tpu.memory_space<hbm>>) target(%arg5 : memref<32x512xf32, #tpu.memory_space<vmem>>) target_semaphore(%arg9 : memref<!tpu.dma_semaphore, #tpu.memory_space<semaphore_mem>>)
    %scan3A = arith.constant 0 : i32
    %scan3A_8 = arith.constant 31 : i32
    %scan3A_9 = arith.addi %scan3A, %scan3A_8 : i32
    %scan3A_10 = arith.constant 1 : i32
    scf.for %scan3A_27 = %scan3A to %scan3A_9 step %scan3A_10  : i32 {
      %mul3A_28 = arith.constant 2 : i32
      %mul3A_29 = arith.muli %scan3A_27, %mul3A_28 : i32
      %add3A_30 = arith.constant 0 : i32
      %add3A_31 = arith.addi %add3A_30, %mul3A_29 : i32
      %add3A_32 = arith.constant 0 : i32
      %add3A_33 = arith.addi %add3A_31, %add3A_32 : i32
      %mul3A_34 = arith.constant 32 : i32
      %mul3A_35 = arith.muli %add3A_33, %mul3A_34 : i32
      %add3A_36 = arith.addi %add3A, %mul3A_35 : i32
      %lt3A_37 = arith.constant 1953 : i32
      %lt3A_38 = arith.cmpi slt, %add3A_36, %lt3A_37 : i32
      %convert_element_type3A_39 = arith.extui %lt3A_38 : i1 to i32
      %cond3A_40 = arith.constant 0 : i32
      %cond3A_41 = arith.cmpi ne, %convert_element_type3A_39, %cond3A_40 : i32
      scf.if %cond3A_41 {
        %add3A_52 = arith.constant 1 : i32
        %add3A_53 = arith.addi %add3A_33, %add3A_52 : i32
        %lt3A_54 = arith.constant 62 : i32
        %lt3A_55 = arith.cmpi slt, %add3A_53, %lt3A_54 : i32
        %add3A_56 = arith.constant 1 : i32
        %add3A_57 = arith.addi %add3A_33, %add3A_56 : i32
        %mul3A_58 = arith.constant 32 : i32
        %mul3A_59 = arith.muli %add3A_57, %mul3A_58 : i32
        %add3A_60 = arith.addi %add3A, %mul3A_59 : i32
        %lt3A_61 = arith.constant 1953 : i32
        %lt3A_62 = arith.cmpi slt, %add3A_60, %lt3A_61 : i32
        %and3A = arith.andi %lt3A_55, %lt3A_62 : i1
        %convert_element_type3A_63 = arith.extui %and3A : i1 to i32
        %cond3A_64 = arith.constant 0 : i32
        %cond3A_65 = arith.cmpi ne, %convert_element_type3A_63, %cond3A_64 : i32
        scf.if %cond3A_65 {
          %add3A_92 = arith.constant 1 : i32
          %add3A_93 = arith.addi %add3A_33, %add3A_92 : i32
          %mul3A_94 = arith.constant 32 : i32
          %mul3A_95 = arith.muli %add3A_93, %mul3A_94 : i32
          %add3A_96 = arith.addi %add3A, %mul3A_95 : i32
          %mul3A_97 = arith.constant 512 : i32
          %mul3A_98 = arith.muli %add3A_96, %mul3A_97 : i32
          %dma_start3A_99 = arith.constant 0 : i32
          %dma_start3A_100 = tpu.memref_slice %arg2[%dma_start3A_99, %mul3A_98] : memref<32x1000000xf32, #tpu.memory_space<hbm>> -> memref<32x512xf32, #tpu.memory_space<hbm>>
          %dma_start3A_101 = arith.constant 0 : i32
          %dma_start3A_102 = tpu.memref_slice %arg2[%dma_start3A_101, %mul3A_98] : memref<32x1000000xf32, #tpu.memory_space<hbm>> -> memref<32x512xf32, #tpu.memory_space<hbm>>
          tpu.enqueue_dma source(%dma_start3A_102 : memref<32x512xf32, #tpu.memory_space<hbm>>) target(%arg6 : memref<32x512xf32, #tpu.memory_space<vmem>>) target_semaphore(%arg10 : memref<!tpu.dma_semaphore, #tpu.memory_space<semaphore_mem>>)
        } else {
        }
        %mul3A_66 = arith.constant 32 : i32
        %mul3A_67 = arith.muli %add3A_33, %mul3A_66 : i32
        %add3A_68 = arith.addi %add3A, %mul3A_67 : i32
        %mul3A_69 = arith.constant 512 : i32
        %mul3A_70 = arith.muli %add3A_68, %mul3A_69 : i32
        %dma_wait3A = arith.constant 0 : i32
        %dma_wait3A_71 = tpu.memref_slice %arg2[%dma_wait3A, %mul3A_70] : memref<32x1000000xf32, #tpu.memory_space<hbm>> -> memref<32x512xf32, #tpu.memory_space<hbm>>
        %dma_wait3A_72 = arith.constant 0 : i32
        %dma_wait3A_73 = tpu.memref_slice %arg2[%dma_wait3A_72, %mul3A_70] : memref<32x1000000xf32, #tpu.memory_space<hbm>> -> memref<32x512xf32, #tpu.memory_space<hbm>>
        tpu.wait_dma2 semaphore(%arg9 : memref<!tpu.dma_semaphore, #tpu.memory_space<semaphore_mem>>) src(%dma_wait3A_73 : memref<32x512xf32, #tpu.memory_space<hbm>>) dst(%arg5 : memref<32x512xf32, #tpu.memory_space<vmem>>)
        %ge3A = arith.constant 2 : i32
        %ge3A_74 = arith.cmpi sge, %add3A_33, %ge3A : i32
        %convert_element_type3A_75 = arith.extui %ge3A_74 : i1 to i32
        %cond3A_76 = arith.constant 0 : i32
        %cond3A_77 = arith.cmpi ne, %convert_element_type3A_75, %cond3A_76 : i32
        scf.if %cond3A_77 {
          %sub3A = arith.constant 2 : i32
          %sub3A_92 = arith.subi %add3A_33, %sub3A : i32
          %mul3A_93 = arith.constant 32 : i32
          %mul3A_94 = arith.muli %sub3A_92, %mul3A_93 : i32
          %add3A_95 = arith.addi %add3A, %mul3A_94 : i32
          %mul3A_96 = arith.constant 512 : i32
          %mul3A_97 = arith.muli %add3A_95, %mul3A_96 : i32
          %mul3A_98 = arith.constant 32 : i32
          %mul3A_99 = arith.muli %mul3A_97, %mul3A_98 : i32
          %dma_wait3A_100 = tpu.memref_slice %arg4[%mul3A_99] : memref<32000000xf32, #tpu.memory_space<hbm>> -> memref<16384xf32, #tpu.memory_space<hbm>>
          %dma_wait3A_101 = tpu.memref_slice %arg4[%mul3A_99] : memref<32000000xf32, #tpu.memory_space<hbm>> -> memref<16384xf32, #tpu.memory_space<hbm>>
          tpu.wait_dma2 semaphore(%arg11 : memref<!tpu.dma_semaphore, #tpu.memory_space<semaphore_mem>>) src(%arg7 : memref<16384xf32, #tpu.memory_space<vmem>>) dst(%dma_wait3A_101 : memref<16384xf32, #tpu.memory_space<hbm>>)
        } else {
        }
        %scan3A_78 = arith.constant 0 : i32
        %scan3A_79 = arith.constant 32 : i32
        %scan3A_80 = arith.addi %scan3A_78, %scan3A_79 : i32
        %scan3A_81 = arith.constant 1 : i32
        scf.for %scan3A_92 = %scan3A_78 to %scan3A_80 step %scan3A_81  : i32 {
          %mul3A_93 = arith.constant 1 : i32
          %mul3A_94 = arith.muli %scan3A_92, %mul3A_93 : i32
          %add3A_95 = arith.constant 0 : i32
          %add3A_96 = arith.addi %add3A_95, %mul3A_94 : i32
          %add3A_97 = vector.broadcast %add3A_96 : i32 to vector<16xi32>
          %add3A_98 = arith.addi %add3A_97, %iota3A : vector<16xi32>
          %and3A_99 = arith.constant 31 : i32
          %and3A_100 = vector.broadcast %and3A_99 : i32 to vector<16xi32>
          %and3A_101 = arith.andi %add3A_98, %and3A_100 : vector<16xi32>
          %mul3A_102 = arith.constant 32 : i32
          %mul3A_103 = vector.broadcast %mul3A_102 : i32 to vector<16xi32>
          %mul3A_104 = arith.muli %iota3A, %mul3A_103 : vector<16xi32>
          %add3A_105 = arith.addi %mul3A_104, %and3A_101 : vector<16xi32>
          %parallel_loop3A = arith.constant 0 : i32
          %parallel_loop3A_106 = arith.constant 32 : i32
          %parallel_loop3A_107 = arith.constant 1 : i32
          scf.for %parallel_loop3A_108 = %parallel_loop3A to %parallel_loop3A_106 step %parallel_loop3A_107  : i32 {
            %parallel_loop3A_109 = arith.constant 16 : i32
            %parallel_loop3A_110 = arith.muli %parallel_loop3A_108, %parallel_loop3A_109 : i32
            %parallel_loop3A_111 = vector.broadcast %parallel_loop3A_110 : i32 to vector<16xi32>
            %parallel_loop3A_112 = arith.addi %parallel_loop3A_111, %iota3A : vector<16xi32>
            %parallel_loop3A_113 = tpu.vector_load_idx %arg5[%and3A_101, %parallel_loop3A_112] : memref<32x512xf32, #tpu.memory_space<vmem>>[vector<16xi32>, vector<16xi32>], vector<16xf32>,
            %parallel_loop3A_114 = arith.constant 512 : i32
            %parallel_loop3A_115 = arith.muli %parallel_loop3A_108, %parallel_loop3A_114 : i32
            %parallel_loop3A_116 = vector.broadcast %parallel_loop3A_115 : i32 to vector<16xi32>
            %parallel_loop3A_117 = arith.addi %add3A_105, %parallel_loop3A_116 : vector<16xi32>
            tpu.vector_store_idx %arg7[%parallel_loop3A_117], %parallel_loop3A_113 : memref<16384xf32, #tpu.memory_space<vmem>>[vector<16xi32>], vector<16xf32>,
          } {sc.loop_unroll_factor = 8 : i64, sc.parallel_access}
        }
        %scan3A_82 = arith.constant 32 : i32
        %mul3A_83 = arith.constant 32 : i32
        %mul3A_84 = arith.muli %add3A_33, %mul3A_83 : i32
        %add3A_85 = arith.addi %add3A, %mul3A_84 : i32
        %mul3A_86 = arith.constant 512 : i32
        %mul3A_87 = arith.muli %add3A_85, %mul3A_86 : i32
        %mul3A_88 = arith.constant 32 : i32
        %mul3A_89 = arith.muli %mul3A_87, %mul3A_88 : i32
        %dma_start3A_90 = tpu.memref_slice %arg4[%mul3A_89] : memref<32000000xf32, #tpu.memory_space<hbm>> -> memref<16384xf32, #tpu.memory_space<hbm>>
        %dma_start3A_91 = tpu.memref_slice %arg4[%mul3A_89] : memref<32000000xf32, #tpu.memory_space<hbm>> -> memref<16384xf32, #tpu.memory_space<hbm>>
        tpu.enqueue_dma source(%arg7 : memref<16384xf32, #tpu.memory_space<vmem>>) target(%dma_start3A_91 : memref<16384xf32, #tpu.memory_space<hbm>>) target_semaphore(%arg11 : memref<!tpu.dma_semaphore, #tpu.memory_space<semaphore_mem>>)
      } else {
      }
      %add3A_42 = arith.constant 1 : i32
      %add3A_43 = arith.addi %add3A_31, %add3A_42 : i32
      %mul3A_44 = arith.constant 32 : i32
      %mul3A_45 = arith.muli %add3A_43, %mul3A_44 : i32
      %add3A_46 = arith.addi %add3A, %mul3A_45 : i32
      %lt3A_47 = arith.constant 1953 : i32
      %lt3A_48 = arith.cmpi slt, %add3A_46, %lt3A_47 : i32
      %convert_element_type3A_49 = arith.extui %lt3A_48 : i1 to i32
      %cond3A_50 = arith.constant 0 : i32
      %cond3A_51 = arith.cmpi ne, %convert_element_type3A_49, %cond3A_50 : i32
      scf.if %cond3A_51 {
        %add3A_52 = arith.constant 1 : i32
        %add3A_53 = arith.addi %add3A_43, %add3A_52 : i32
        %lt3A_54 = arith.constant 62 : i32
        %lt3A_55 = arith.cmpi slt, %add3A_53, %lt3A_54 : i32
        %add3A_56 = arith.constant 1 : i32
        %add3A_57 = arith.addi %add3A_43, %add3A_56 : i32
        %mul3A_58 = arith.constant 32 : i32
        %mul3A_59 = arith.muli %add3A_57, %mul3A_58 : i32
        %add3A_60 = arith.addi %add3A, %mul3A_59 : i32
        %lt3A_61 = arith.constant 1953 : i32
        %lt3A_62 = arith.cmpi slt, %add3A_60, %lt3A_61 : i32
        %and3A = arith.andi %lt3A_55, %lt3A_62 : i1
        %convert_element_type3A_63 = arith.extui %and3A : i1 to i32
        %cond3A_64 = arith.constant 0 : i32
        %cond3A_65 = arith.cmpi ne, %convert_element_type3A_63, %cond3A_64 : i32
        scf.if %cond3A_65 {
          %add3A_92 = arith.constant 1 : i32
          %add3A_93 = arith.addi %add3A_43, %add3A_92 : i32
          %mul3A_94 = arith.constant 32 : i32
          %mul3A_95 = arith.muli %add3A_93, %mul3A_94 : i32
          %add3A_96 = arith.addi %add3A, %mul3A_95 : i32
          %mul3A_97 = arith.constant 512 : i32
          %mul3A_98 = arith.muli %add3A_96, %mul3A_97 : i32
          %dma_start3A_99 = arith.constant 0 : i32
          %dma_start3A_100 = tpu.memref_slice %arg2[%dma_start3A_99, %mul3A_98] : memref<32x1000000xf32, #tpu.memory_space<hbm>> -> memref<32x512xf32, #tpu.memory_space<hbm>>
          %dma_start3A_101 = arith.constant 0 : i32
          %dma_start3A_102 = tpu.memref_slice %arg2[%dma_start3A_101, %mul3A_98] : memref<32x1000000xf32, #tpu.memory_space<hbm>> -> memref<32x512xf32, #tpu.memory_space<hbm>>
          tpu.enqueue_dma source(%dma_start3A_102 : memref<32x512xf32, #tpu.memory_space<hbm>>) target(%arg5 : memref<32x512xf32, #tpu.memory_space<vmem>>) target_semaphore(%arg9 : memref<!tpu.dma_semaphore, #tpu.memory_space<semaphore_mem>>)
        } else {
        }
        %mul3A_66 = arith.constant 32 : i32
        %mul3A_67 = arith.muli %add3A_43, %mul3A_66 : i32
        %add3A_68 = arith.addi %add3A, %mul3A_67 : i32
        %mul3A_69 = arith.constant 512 : i32
        %mul3A_70 = arith.muli %add3A_68, %mul3A_69 : i32
        %dma_wait3A = arith.constant 0 : i32
        %dma_wait3A_71 = tpu.memref_slice %arg2[%dma_wait3A, %mul3A_70] : memref<32x1000000xf32, #tpu.memory_space<hbm>> -> memref<32x512xf32, #tpu.memory_space<hbm>>
        %dma_wait3A_72 = arith.constant 0 : i32
        %dma_wait3A_73 = tpu.memref_slice %arg2[%dma_wait3A_72, %mul3A_70] : memref<32x1000000xf32, #tpu.memory_space<hbm>> -> memref<32x512xf32, #tpu.memory_space<hbm>>
        tpu.wait_dma2 semaphore(%arg10 : memref<!tpu.dma_semaphore, #tpu.memory_space<semaphore_mem>>) src(%dma_wait3A_73 : memref<32x512xf32, #tpu.memory_space<hbm>>) dst(%arg6 : memref<32x512xf32, #tpu.memory_space<vmem>>)
        %ge3A = arith.constant 2 : i32
        %ge3A_74 = arith.cmpi sge, %add3A_43, %ge3A : i32
        %convert_element_type3A_75 = arith.extui %ge3A_74 : i1 to i32
        %cond3A_76 = arith.constant 0 : i32
        %cond3A_77 = arith.cmpi ne, %convert_element_type3A_75, %cond3A_76 : i32
        scf.if %cond3A_77 {
          %sub3A = arith.constant 2 : i32
          %sub3A_92 = arith.subi %add3A_43, %sub3A : i32
          %mul3A_93 = arith.constant 32 : i32
          %mul3A_94 = arith.muli %sub3A_92, %mul3A_93 : i32
          %add3A_95 = arith.addi %add3A, %mul3A_94 : i32
          %mul3A_96 = arith.constant 512 : i32
          %mul3A_97 = arith.muli %add3A_95, %mul3A_96 : i32
          %mul3A_98 = arith.constant 32 : i32
          %mul3A_99 = arith.muli %mul3A_97, %mul3A_98 : i32
          %dma_wait3A_100 = tpu.memref_slice %arg4[%mul3A_99] : memref<32000000xf32, #tpu.memory_space<hbm>> -> memref<16384xf32, #tpu.memory_space<hbm>>
          %dma_wait3A_101 = tpu.memref_slice %arg4[%mul3A_99] : memref<32000000xf32, #tpu.memory_space<hbm>> -> memref<16384xf32, #tpu.memory_space<hbm>>
          tpu.wait_dma2 semaphore(%arg12 : memref<!tpu.dma_semaphore, #tpu.memory_space<semaphore_mem>>) src(%arg8 : memref<16384xf32, #tpu.memory_space<vmem>>) dst(%dma_wait3A_101 : memref<16384xf32, #tpu.memory_space<hbm>>)
        } else {
        }
        %scan3A_78 = arith.constant 0 : i32
        %scan3A_79 = arith.constant 32 : i32
        %scan3A_80 = arith.addi %scan3A_78, %scan3A_79 : i32
        %scan3A_81 = arith.constant 1 : i32
        scf.for %scan3A_92 = %scan3A_78 to %scan3A_80 step %scan3A_81  : i32 {
          %mul3A_93 = arith.constant 1 : i32
          %mul3A_94 = arith.muli %scan3A_92, %mul3A_93 : i32
          %add3A_95 = arith.constant 0 : i32
          %add3A_96 = arith.addi %add3A_95, %mul3A_94 : i32
          %add3A_97 = vector.broadcast %add3A_96 : i32 to vector<16xi32>
          %add3A_98 = arith.addi %add3A_97, %iota3A : vector<16xi32>
          %and3A_99 = arith.constant 31 : i32
          %and3A_100 = vector.broadcast %and3A_99 : i32 to vector<16xi32>
          %and3A_101 = arith.andi %add3A_98, %and3A_100 : vector<16xi32>
          %mul3A_102 = arith.constant 32 : i32
          %mul3A_103 = vector.broadcast %mul3A_102 : i32 to vector<16xi32>
          %mul3A_104 = arith.muli %iota3A, %mul3A_103 : vector<16xi32>
          %add3A_105 = arith.addi %mul3A_104, %and3A_101 : vector<16xi32>
          %parallel_loop3A = arith.constant 0 : i32
          %parallel_loop3A_106 = arith.constant 32 : i32
          %parallel_loop3A_107 = arith.constant 1 : i32
          scf.for %parallel_loop3A_108 = %parallel_loop3A to %parallel_loop3A_106 step %parallel_loop3A_107  : i32 {
            %parallel_loop3A_109 = arith.constant 16 : i32
            %parallel_loop3A_110 = arith.muli %parallel_loop3A_108, %parallel_loop3A_109 : i32
            %parallel_loop3A_111 = vector.broadcast %parallel_loop3A_110 : i32 to vector<16xi32>
            %parallel_loop3A_112 = arith.addi %parallel_loop3A_111, %iota3A : vector<16xi32>
            %parallel_loop3A_113 = tpu.vector_load_idx %arg6[%and3A_101, %parallel_loop3A_112] : memref<32x512xf32, #tpu.memory_space<vmem>>[vector<16xi32>, vector<16xi32>], vector<16xf32>,
            %parallel_loop3A_114 = arith.constant 512 : i32
            %parallel_loop3A_115 = arith.muli %parallel_loop3A_108, %parallel_loop3A_114 : i32
            %parallel_loop3A_116 = vector.broadcast %parallel_loop3A_115 : i32 to vector<16xi32>
            %parallel_loop3A_117 = arith.addi %add3A_105, %parallel_loop3A_116 : vector<16xi32>
            tpu.vector_store_idx %arg8[%parallel_loop3A_117], %parallel_loop3A_113 : memref<16384xf32, #tpu.memory_space<vmem>>[vector<16xi32>], vector<16xf32>,
          } {sc.loop_unroll_factor = 8 : i64, sc.parallel_access}
        }
        %scan3A_82 = arith.constant 32 : i32
        %mul3A_83 = arith.constant 32 : i32
        %mul3A_84 = arith.muli %add3A_43, %mul3A_83 : i32
        %add3A_85 = arith.addi %add3A, %mul3A_84 : i32
        %mul3A_86 = arith.constant 512 : i32
        %mul3A_87 = arith.muli %add3A_85, %mul3A_86 : i32
        %mul3A_88 = arith.constant 32 : i32
        %mul3A_89 = arith.muli %mul3A_87, %mul3A_88 : i32
        %dma_start3A_90 = tpu.memref_slice %arg4[%mul3A_89] : memref<32000000xf32, #tpu.memory_space<hbm>> -> memref<16384xf32, #tpu.memory_space<hbm>>
        %dma_start3A_91 = tpu.memref_slice %arg4[%mul3A_89] : memref<32000000xf32, #tpu.memory_space<hbm>> -> memref<16384xf32, #tpu.memory_space<hbm>>
        tpu.enqueue_dma source(%arg8 : memref<16384xf32, #tpu.memory_space<vmem>>) target(%dma_start3A_91 : memref<16384xf32, #tpu.memory_space<hbm>>) target_semaphore(%arg12 : memref<!tpu.dma_semaphore, #tpu.memory_space<semaphore_mem>>)
      } else {
      }
    }
    %scan3A_11 = arith.constant 31 : i32
    %add3A_12 = arith.constant 1920 : i32
    %add3A_13 = arith.addi %add3A, %add3A_12 : i32
    %lt3A = arith.constant 1953 : i32
    %lt3A_14 = arith.cmpi slt, %add3A_13, %lt3A : i32
    %convert_element_type3A = arith.extui %lt3A_14 : i1 to i32
    %cond3A = arith.constant 0 : i32
    %cond3A_15 = arith.cmpi ne, %convert_element_type3A, %cond3A : i32
    scf.if %cond3A_15 {
      %add3A_27 = arith.constant 1920 : i32
      %add3A_28 = arith.addi %add3A, %add3A_27 : i32
      %mul3A_29 = arith.constant 512 : i32
      %mul3A_30 = arith.muli %add3A_28, %mul3A_29 : i32
      %mul3A_31 = arith.constant 32 : i32
      %mul3A_32 = arith.muli %mul3A_30, %mul3A_31 : i32
      %dma_wait3A = tpu.memref_slice %arg4[%mul3A_32] : memref<32000000xf32, #tpu.memory_space<hbm>> -> memref<16384xf32, #tpu.memory_space<hbm>>
      %dma_wait3A_33 = tpu.memref_slice %arg4[%mul3A_32] : memref<32000000xf32, #tpu.memory_space<hbm>> -> memref<16384xf32, #tpu.memory_space<hbm>>
      tpu.wait_dma2 semaphore(%arg11 : memref<!tpu.dma_semaphore, #tpu.memory_space<semaphore_mem>>) src(%arg7 : memref<16384xf32, #tpu.memory_space<vmem>>) dst(%dma_wait3A_33 : memref<16384xf32, #tpu.memory_space<hbm>>)
    } else {
    }
    %add3A_16 = arith.constant 1952 : i32
    %add3A_17 = arith.addi %add3A, %add3A_16 : i32
    %lt3A_18 = arith.constant 1953 : i32
    %lt3A_19 = arith.cmpi slt, %add3A_17, %lt3A_18 : i32
    %convert_element_type3A_20 = arith.extui %lt3A_19 : i1 to i32
    %cond3A_21 = arith.constant 0 : i32
    %cond3A_22 = arith.cmpi ne, %convert_element_type3A_20, %cond3A_21 : i32
    scf.if %cond3A_22 {
      %add3A_27 = arith.constant 1952 : i32
      %add3A_28 = arith.addi %add3A, %add3A_27 : i32
      %mul3A_29 = arith.constant 512 : i32
      %mul3A_30 = arith.muli %add3A_28, %mul3A_29 : i32
      %mul3A_31 = arith.constant 32 : i32
      %mul3A_32 = arith.muli %mul3A_30, %mul3A_31 : i32
      %dma_wait3A = tpu.memref_slice %arg4[%mul3A_32] : memref<32000000xf32, #tpu.memory_space<hbm>> -> memref<16384xf32, #tpu.memory_space<hbm>>
      %dma_wait3A_33 = tpu.memref_slice %arg4[%mul3A_32] : memref<32000000xf32, #tpu.memory_space<hbm>> -> memref<16384xf32, #tpu.memory_space<hbm>>
      tpu.wait_dma2 semaphore(%arg12 : memref<!tpu.dma_semaphore, #tpu.memory_space<semaphore_mem>>) src(%arg8 : memref<16384xf32, #tpu.memory_space<vmem>>) dst(%dma_wait3A_33 : memref<16384xf32, #tpu.memory_space<hbm>>)
    } else {
    }
    %eq3A = arith.constant 1 : i32
    %eq3A_23 = arith.cmpi eq, %add3A, %eq3A : i32
    %convert_element_type3A_24 = arith.extui %eq3A_23 : i1 to i32
    %cond3A_25 = arith.constant 0 : i32
    %cond3A_26 = arith.cmpi ne, %convert_element_type3A_24, %cond3A_25 : i32
    scf.if %cond3A_26 {
      "tpu.region"() ({
        %run_scoped3A = tpu.sem_alloc : memref<!tpu.dma_semaphore, #tpu.memory_space<semaphore_mem>>
        %dma_start3A_27 = arith.constant 31997952 : i32
        %dma_start3A_28 = tpu.memref_slice %arg4[%dma_start3A_27] : memref<32000000xf32, #tpu.memory_space<hbm>> -> memref<2048xf32, #tpu.memory_space<hbm>>
        tpu.enqueue_dma source(%arg3 : memref<2048xf32, #tpu.memory_space<hbm>>) target(%dma_start3A_28 : memref<2048xf32, #tpu.memory_space<hbm>>) target_semaphore(%run_scoped3A : memref<!tpu.dma_semaphore, #tpu.memory_space<semaphore_mem>>)
        %dma_wait3A = arith.constant 31997952 : i32
        %dma_wait3A_29 = tpu.memref_slice %arg4[%dma_wait3A] : memref<32000000xf32, #tpu.memory_space<hbm>> -> memref<2048xf32, #tpu.memory_space<hbm>>
        tpu.wait_dma2 semaphore(%run_scoped3A : memref<!tpu.dma_semaphore, #tpu.memory_space<semaphore_mem>>) src(%arg3 : memref<2048xf32, #tpu.memory_space<hbm>>) dst(%dma_wait3A_29 : memref<2048xf32, #tpu.memory_space<hbm>>)
        tpu.yield
      }) : () -> ()
    } else {
    }
    return
  }
}

module attributes {stable_mosaic.version = 14 : i64} {
  func.func @mm_kernel(%arg0: i32, %arg1: memref<256x6400xf32, #tpu.memory_space<vmem>>, %arg2: memref<1x6400xf32, #tpu.memory_space<vmem>>, %arg3: memref<6400x64xf32, #tpu.memory_space<vmem>>, %arg4: memref<1x64xf32, #tpu.memory_space<vmem>>, %arg5: memref<256x64xf32, #tpu.memory_space<vmem>>) attributes {dimension_semantics = [#tpu.dimension_semantics<arbitrary>], iteration_bounds = array<i64: 16>, scalar_prefetch = 0 : i64, scratch_operands = 0 : i64, tpu.core_type = #tpu.core_type<tc>, window_params = [{transform_indices = @transform_0, window_bounds = array<i64: 256, 6400>}, {pipeline_mode = #tpu.pipeline_mode<synchronous>, transform_indices = @transform_1, window_bounds = array<i64: 1, 6400>}, {pipeline_mode = #tpu.pipeline_mode<synchronous>, transform_indices = @transform_2, window_bounds = array<i64: 6400, 64>}, {pipeline_mode = #tpu.pipeline_mode<synchronous>, transform_indices = @transform_3, window_bounds = array<i64: 1, 64>}, {transform_indices = @transform_4, window_bounds = array<i64: 256, 64>}]} {
    %get3A = arith.constant 0 : index
    %get3A_0 = arith.constant 0 : index
    %get3A_1 = vector.load %arg1[%get3A, %get3A_0] : memref<256x6400xf32, #tpu.memory_space<vmem>>, vector<256x6400xf32>
    %get3A_2 = arith.constant 0 : index
    %get3A_3 = arith.constant 0 : index
    %get3A_4 = vector.load %arg2[%get3A_2, %get3A_3] : memref<1x6400xf32, #tpu.memory_space<vmem>>, vector<1x6400xf32>
    %add3A = vector.broadcast %get3A_4 : vector<1x6400xf32> to vector<256x6400xf32>
    %add3A_5 = arith.addf %get3A_1, %add3A : vector<256x6400xf32>
    %get3A_6 = arith.constant 0 : index
    %get3A_7 = arith.constant 0 : index
    %get3A_8 = vector.load %arg3[%get3A_6, %get3A_7] : memref<6400x64xf32, #tpu.memory_space<vmem>>, vector<6400x64xf32>
    %dot_general3A = arith.constant dense<0.000000e+00> : vector<256x64xf32>
    %dot_general3A_9 = tpu.matmul %add3A_5, %get3A_8, %dot_general3A {dimension_numbers = #tpu.dot_dimension_numbers<[1], [0], [0], [1], [0, 0, 1, 1], [], []>, transpose_lhs_hint = false} : vector<256x6400xf32>, vector<6400x64xf32>, vector<256x64xf32> -> vector<256x64xf32>
    %get3A_10 = arith.constant 0 : index
    %get3A_11 = arith.constant 0 : index
    %get3A_12 = vector.load %arg4[%get3A_10, %get3A_11] : memref<1x64xf32, #tpu.memory_space<vmem>>, vector<1x64xf32>
    %add3A_13 = vector.broadcast %get3A_12 : vector<1x64xf32> to vector<256x64xf32>
    %add3A_14 = arith.addf %dot_general3A_9, %add3A_13 : vector<256x64xf32>
    %swap3A = arith.constant 0 : index
    %swap3A_15 = arith.constant 0 : index
    %swap3A_16 = vector.load %arg5[%swap3A, %swap3A_15] : memref<256x64xf32, #tpu.memory_space<vmem>>, vector<256x64xf32>
    tpu.vector_store %arg5[%swap3A, %swap3A_15], %add3A_14 {strides = array<i32>} : memref<256x64xf32, #tpu.memory_space<vmem>>, vector<256x64xf32>,
    return
  }
  func.func @transform_0(%arg0: i32) -> (i32, i32) {
    %c0_i32 = arith.constant 0 : i32
    %c0_i32_0 = arith.constant 0 : i32
    return %arg0, %c0_i32 : i32, i32
  }
  func.func @transform_1(%arg0: i32) -> (i32, i32) {
    %c0_i32 = arith.constant 0 : i32
    %c0_i32_0 = arith.constant 0 : i32
    %c0_i32_1 = arith.constant 0 : i32
    return %c0_i32, %c0_i32_0 : i32, i32
  }
  func.func @transform_2(%arg0: i32) -> (i32, i32) {
    %c0_i32 = arith.constant 0 : i32
    %c0_i32_0 = arith.constant 0 : i32
    %c0_i32_1 = arith.constant 0 : i32
    return %c0_i32, %c0_i32_0 : i32, i32
  }
  func.func @transform_3(%arg0: i32) -> (i32, i32) {
    %c0_i32 = arith.constant 0 : i32
    %c0_i32_0 = arith.constant 0 : i32
    %c0_i32_1 = arith.constant 0 : i32
    return %c0_i32, %c0_i32_0 : i32, i32
  }
  func.func @transform_4(%arg0: i32) -> (i32, i32) {
    %c0_i32 = arith.constant 0 : i32
    %c0_i32_0 = arith.constant 0 : i32
    return %arg0, %c0_i32 : i32, i32
  }
}

</mosaic_0001>

<sc_bundles>
// kernel: kernel.5.cloned.1.call-start
scs
__scs_entry_jumppad:
0x0: {  	(pc) =	sbr.rel $0x88, $3  }
0x1: {  	(tag) =	ssettag $0x0;
	lr =	simm.s32 $0x1  }
0x2: {  	[smem:$0x3F9C] =	sst lr;
	_ =	strace $0xD0000000  }
0x3: {  	_ = 	snop  }
0x4: {  	_ = 	snop  }
0x5: {  	_ = 	snop  }
0x6: {  	_ = 	snop  }
0x7: {  	_ = 	snop  }
__scs_overlays_trampoline_lowered:
0x8: {  	[smem:$0x3FAB] =	sst s0  }
0x9: {  	[smem:$0x3FAC] =	sst s1  }
0xa: {  	[smem:$0x3FAD] =	sst s2  }
0xb: {  	[smem:$0x3FAE] =	sst s3  }
0xc: {  	[smem:$0x3FAF] =	sst s4  }
0xd: {  	[smem:$0x3FB0] =	sst s5  }
0xe: {  	[smem:$0x3FB1] =	sst s6  }
0xf: {  	[smem:$0x3FB2] =	sst s7  }
0x10: {  	[smem:$0x3FB3] =	sst s8  }
0x11: {  	[smem:$0x3FB4] =	sst s9;
	s0 =	simm.s32 @!p0 $0x0  }
0x12: {  	s1 =	sld [smem:$0x3F9A];
	s0 =	simm.s32 @p0 $0x1  }
0x13: {  	[smem:$0x3FB5] =	sst s0;
	s0 =	simm.s32 @!p1 $0x0  }
0x14: {  	s2 =	sld [smem:$0x3F99];
	s0 =	simm.s32 @p1 $0x1  }
0x15: {  	[smem:$0x3FB6] =	sst s0;
	s0 =	simm.s32 @!p2 $0x0  }
0x16: {  	s3 =	sld [smem:$0x3FDB];
	s0 =	simm.s32 @p2 $0x1  }
0x17: {  	s4 =	simm.s32 $0x1BF5;
	[smem:$0x3FB8] =	sst s0  }
0x18: {  	s0 =	sld [smem:$0x3F9B];
	_ =	swait.ge [sflag:s4], $0x0  }
0x19: {  	s7 =	sld [smem:$0x3F9C]  }
0x1a: {  	s8 =	sadd.s32 $0xFFFFE003, lr  }
0x1b: {  	s9 =	sadd.s32 $0xFFFFFEF7, lr;
	s5 =	simm.s32 $0xFFFFFFFF;
	p2 =	slt.u32 s8, $0xFFFFF086  }
0x1c: {  	p1 =	slt.u32 s9, $0xF7A;
	s5 =	simm.s32 @!p2 $0x0  }
0x1d: {  	s5 =	simm.s32 @p1 $0x1;
	p0 =	seq.s32 s7, s2  }
0x1e: {  	s7 =	smul.u32 @!p0 $0xF7A, s2;
	p2 =	seq.s32 @!p0 s5, $0x0  }
0x1f: {  	s9 =	smul.u32 $0xF7A, s1;
	s8 =	simm.s32 @!p0 $0x1BF5;
	p2 =	por !p2, p0  }
0x20: {  	[sflag:s8] =	ssyncset.s32 @!p0 $0xFFFFF086;
	s6 =	sadd.s32 @!p0 s3, s7;
	s7 =	simm.s32 @!p0 $0x108  }
0x21: {  	s3 =	sadd.s32 s3, s9;
	s6 =	sadd.s32 @!p0 $0x88, s6;
	s7 =	simm.s32 @p2 $0x1082  }
0x22: {  	[simem:s7], [sflag:s8] =	dma.local @!p0 [hbm:s6], $0xF7A  }
0x23: {  	s9 =	sor.u32 $0xD0000000, s2;
	s6 =	simm.s32 $0x108;
	_ =	swait.ge @!p0 [sflag:s8], $0x0  }
0x24: {  	s3 =	sadd.s32 $0x88, s3;
	s6 =	simm.s32 @!p1 $0x1082;
	[sflag:s4] =	ssyncset.s32 $0xFFFFF086  }
0x25: {  	[simem:s6], [sflag:s4] =	dma.local [hbm:s3], $0xF7A  }
0x26: {  	[smem:$0x3F9C] =	sst s1;
	(tag) =	ssettag s2;
	_ =	strace s9  }
0x27: {  	s1 =	sld [smem:$0x3FAC]  }
0x28: {  	s2 =	sld [smem:$0x3FAD]  }
0x29: {  	s4 =	sld [smem:$0x3FAF]  }
0x2a: {  	p0 =	seq.s32 s5, $0x0;
	s5 =	sld [smem:$0x3FB0]  }
0x2b: {  	s6 =	sld [smem:$0x3FB1]  }
0x2c: {  	s7 =	sld [smem:$0x3FB2]  }
0x2d: {  	s3 =	simm.s32 $0x108;
	s8 =	sld [smem:$0x3FB3]  }
0x2e: {  	s3 =	simm.s32 @!p0 $0x1082;
	s9 =	sld [smem:$0x3FB4]  }
0x2f: {  	lr =	sadd.s32 s0, s3;
	s0 =	sld [smem:$0x3FAB]  }
0x30: {  	s3 =	sld [smem:$0x3FAE]  }
0x31: {  	[smem:$0x3FB7] =	sst s10  }
0x32: {  	s10 =	sld [smem:$0x3FB5];
	_ =	sdelay $0x3  }
0x33: {  	p0 =	seq.s32 s10, $0x1;
	s10 =	sld [smem:$0x3FB7];
	_ =	sdelay $0x3  }
0x34: {  	[smem:$0x3FB7] =	sst s10  }
0x35: {  	s10 =	sld [smem:$0x3FB6];
	_ =	sdelay $0x3  }
0x36: {  	p1 =	seq.s32 s10, $0x1;
	s10 =	sld [smem:$0x3FB7];
	_ =	sdelay $0x3  }
0x37: {  	[smem:$0x3FB7] =	sst s10  }
0x38: {  	s10 =	sld [smem:$0x3FB8]  }
0x39: {  	_ = 	snop;
	(pc) =	sbr.ind lr, $3  }
0x3a: {  	_ = 	snop  }
0x3b: {  	_ = 	snop  }
0x3c: {  	p2 =	seq.s32 s10, $0x1;
	s10 =	sld [smem:$0x3FB7]  }
0x3d: {  	_ =	shalt  }
0x3e: {  	_ =	shalt  }
0x3f: {  	_ =	shalt  }
0x40: {  	_ =	shalt  }
0x41: {  	_ =	shalt  }
0x42: {  	_ =	shalt  }
0x43: {  	_ =	shalt  }
0x44: {  	_ =	shalt  }
0x45: {  	_ =	shalt  }
0x46: {  	_ =	shalt  }
0x47: {  	_ =	shalt  }
0x48: {  	_ =	shalt  }
0x49: {  	_ =	shalt  }
0x4a: {  	_ =	shalt  }
0x4b: {  	_ =	shalt  }
0x4c: {  	_ =	shalt  }
0x4d: {  	_ =	shalt  }
0x4e: {  	_ =	shalt  }
0x4f: {  	_ =	shalt  }
0x50: {  	_ =	shalt  }
0x51: {  	_ =	shalt  }
0x52: {  	_ =	shalt  }
0x53: {  	_ =	shalt  }
0x54: {  	_ =	shalt  }
0x55: {  	_ =	shalt  }
0x56: {  	_ =	shalt  }
0x57: {  	_ =	shalt  }
0x58: {  	_ =	shalt  }
0x59: {  	_ =	shalt  }
0x5a: {  	_ =	shalt  }
0x5b: {  	_ =	shalt  }
0x5c: {  	_ =	shalt  }
0x5d: {  	_ =	shalt  }
0x5e: {  	_ =	shalt  }
0x5f: {  	_ =	shalt  }
0x60: {  	_ =	shalt  }
0x61: {  	_ =	shalt  }
0x62: {  	_ =	shalt  }
0x63: {  	_ =	shalt  }
0x64: {  	_ =	shalt  }
0x65: {  	_ =	shalt  }
0x66: {  	_ =	shalt  }
0x67: {  	_ =	shalt  }
0x68: {  	_ =	shalt  }
0x69: {  	_ =	shalt  }
0x6a: {  	_ =	shalt  }
0x6b: {  	_ =	shalt  }
0x6c: {  	_ =	shalt  }
0x6d: {  	_ =	shalt  }
0x6e: {  	_ =	shalt  }
0x6f: {  	_ =	shalt  }
0x70: {  	_ =	shalt  }
0x71: {  	_ =	shalt  }
0x72: {  	_ =	shalt  }
0x73: {  	_ =	shalt  }
0x74: {  	_ =	shalt  }
0x75: {  	_ =	shalt  }
0x76: {  	_ =	shalt  }
0x77: {  	_ =	shalt  }
0x78: {  	_ =	shalt  }
0x79: {  	_ =	shalt  }
0x7a: {  	_ =	shalt  }
0x7b: {  	_ =	shalt  }
0x7c: {  	_ =	shalt  }
0x7d: {  	_ =	shalt  }
0x7e: {  	_ =	shalt  }
0x7f: {  	_ =	shalt  }
0x80: {  	_ =	shalt  }
0x81: {  	_ =	shalt  }
0x82: {  	_ =	shalt  }
0x83: {  	_ =	shalt  }
0x84: {  	_ =	shalt  }
0x85: {  	_ =	shalt  }
0x86: {  	_ =	shalt  }
0x87: {  	_ =	shalt  }
.Lfunc_end0:
.L_simem_size_0:
called_computation_lowered:
.L_overlay_start_0:
0x88: {  	s2 =	sld [smem:$0x3FD9]  }
0x89: {  	s3 =	sld [smem:$0x3FFE];
	_ =	sdelay $0x1  }
0x8a: {  	s1 =	srdreg.scid  }
0x8b: {  	s0 =	sand.u32 $0x1, s1  }
0x8c: {  	s17 =	sshll.u32 s0, $0xA;
	s2 =	sadd.s32 s3, s2  }
0x8d: {  	s2 =	sadd.s32 s2, s17  }
0x8e: {  	[smem:$0x3FC3] =	sst s2  }
0x8f: {  	_ = 	snop  }
0x90: {  	s2 =	sld [smem:$0x3FC8]  }
0x91: {  	s18 =	sld [smem:$0x3FD0];
	(tm) =	ssettm $0x1  }
0x92: {  	s4 =	sld [smem:$0x3FFB];
	_ =	sdelay $0x3  }
0x93: {  	_ =	strace s4  }
0x94: {  	s4 =	sld [smem:$0x3FFC];
	_ =	sdelay $0x3  }
0x95: {  	_ =	strace s4  }
0x96: {  	s4 =	sld [smem:$0x3FFD];
	_ =	sdelay $0x3  }
0x97: {  	_ =	strace s4  }
0x98: {  	_ =	strace $0x8FFFFFFF  }
0x99: {  	s19 =	sld [smem:$0x3FDB];
	_ =	sdelay $0x1  }
0x9a: {  	s5 =	simm.s32 $_scs_section_size  }
0x9b: {  	s6 =	simm.s32 $_size__tile_overlayer_lowered;
	s7 =	simm.s32 $_tile_overlayer_lowered  }
0x9c: {  	s22 =	simm.s32 $0x1BFF;
	s21 =	sshll.u32 s7, $0x1;
	s4 =	sadd.s32 s5, s19  }
0x9d: {  	s8 =	simm.s32 $0x0;
	s20 =	sshll.u32 s6, $0x1;
	s6 =	sadd.s32 s21, s4  }
0x9e: {  	[timem:s8], [sflag:s22] =	dma.local [hbm:s6], s20  }
0x9f: {  	_ =	swait.ge [sflag:s22], s20  }
0xa0: {  	s5 =	ssub.s32 $0x0, s20;
	[sflag:s22] =	ssyncset.done $0x0  }
0xa1: {  	[sflag:s22] =	ssyncadd.s32 s5;
	_ =	sdelay $0x1  }
0xa2: {  	s23 =	simm.s32 $0x1B8B  }
0xa3: {  	_ =	swait.ge [sflag:s23], $0x1  }
0xa4: {  	[sflag:s23] =	ssyncset.done $0x0  }
0xa5: {  	s25 =	simm.s32 $0x1B8E;
	s24 =	sld [smem:$0x3FFE];
	[sflag:s23] =	ssyncadd.s32 $0xFFFFFFFF  }
0xa6: {  	s26 =	simm.s32 $execute0_lowered;
	[smem:$0x3FD2] =	sst s25  }
0xa7: {  	s6 =	sshll.u32 s26, $0x1;
	_ =	strace $0x80000046;
	[dreg:$0x1] =	wrdreg $0xFFFFFFFF  }
0xa8: {  	s28 =	simm.s32 $_size_execute0_lowered;
	s4 =	sadd.s32 s4, s6;
	[dreg:$0x0] =	wrdreg $0x0  }
0xa9: {  	s6 =	sshll.u32 s28, $0x1;
	[dreg:$0x2] =	wrdreg s4  }
0xaa: {  	[dreg:$0x3] =	wrdreg s6  }
0xab: {  	[dreg:$0x4] =	wrdreg $0xC0  }
0xac: {  	_ =	task [dreg:s8], $0x5FFFF  }
0xad: {  	[dreg:$0x1] =	wrdreg $0xFFFFFFFF  }
0xae: {  	[dreg:$0x0] =	wrdreg $0x60  }
0xaf: {  	[dreg:$0x2] =	wrdreg s2  }
0xb0: {  	[dreg:$0x3] =	wrdreg s18  }
0xb1: {  	[dreg:$0x4] =	wrdreg s24  }
0xb2: {  	[dreg:$0x5] =	wrdreg $0x9  }
0xb3: {  	_ =	task.clear_ibuf [dreg:s8], $0x6FFFF;
	_ =	strace $0x90000046  }
0xb4: {  	s29 =	simm.s32 $0x9;
	_ =	strace $0x80000048  }
0xb5: {  	_ =	swait.ge [sflag:s29], $0x1  }
0xb6: {  	[sflag:s29] =	ssyncadd.s32 $0xFFFFFFFF  }
0xb7: {  	_ =	strace $0x90000048  }
0xb8: {  	_ =	sfence  }
0xb9: {  	s30 =	sld [smem:$0x0];
	_ =	sdelay $0x2  }
0xba: {  	s31 =	sshll.u32 s1, $0xD;
	s1 =	sshrl.u32 s1, $0x2  }
0xbb: {  	s3 =	sand.u32 $0x4000, s31;
	s1 =	sadd.s32 s1, s30  }
0xbc: {  	s0 =	sor.u32 s3, s0;
	s1 =	sshll.u32 s1, $0x11  }
0xbd: {  	s0 =	sor.u32 s1, s0  }
0xbe: {  	s0 =	sadd.s32 $0x8F2B, s0  }
0xbf: {  	[sflag:s0] =	ssyncadd.remote.s32 $0x1  }
0xc0: {  	_ =	sfence.sel $0xFFFF  }
0xc1: {  	[dreg:$0x0] =	wrdreg $0xFFFFFFFF;
	(pc) =	sbr.abs _section_cstart, $3  }
0xc2: {  	[dreg:$0x1] =	wrdreg $0xFFFFFFFF  }
0xc3: {  	_ =	task.clear_ibuf [dreg:s8], $0x2FFFF;
	_ =	strace $0x9FFFFFFF  }
0xc4: {  	(tm) =	ssettm $0x7FFFFFFF  }
0xc5: {  	_ =	shalt  }
tec
execute0_lowered:
.L_overlay_start_1:
0x0: {  	(tag) =	ssettag $0x1  }
0x1: {  	s1 =	rddreg [dreg:$0x0]  }
0x2: {  	s9 =	rddreg [dreg:$0x2]  }
0x3: {  	s5 =	srdreg.scid;
	s2 =	stileid.u32  }
0x4: {  	s4 =	simm.s32 $0x0;
	s12 =	simm.s32 $0x7A1400;
	s13 =	simm.s32 $0x1  }
0x5: {  	s14 =	simm.s32 $0x8000;
	s15 =	simm.s32 $0x2;
	s16 =	simm.s32 $0x4000  }
0x6: {  	s17 =	simm.s32 $0xC000;
	s18 =	simm.s32 $0x3;
	s19 =	simm.s32 $0x0  }
0x7: {  	s5 =	sand.u32 $0x1, s5;
	s6 =	sshll.u32 s2, $0x1;
	[smem:$0x7FF] =	sst s4  }
.Ltmp0:
0x8: {  	s7 =	ssub.s32 $0x2, s5;
	_ =	strace $0x80000047;
	(pc) =	sbr.rel .LBB2_1-.Ltmp0, $4  }
0x9: {  	v0 =	vlaneseq.u32;
	v9 =	vimm.s32 $0x0;
	vm0 =	vcmask $0x300;
	s5 =	sor.u32 s5, s6;
	s6 =	sadd.s32 $0x1000, s9;
	s9 =	sadd.s32 $0x3D1800, s9  }
0xa: {  	v1 =	vor.u32 $0x10, v0;
	v2 =	vor.u32 $0x20, v0;
	v3 =	vor.u32 $0x30, v0;
	s8 =	sshrl.u32 s7, $0x1;
	s10 =	sshll.u32 s5, $0x9;
	p0 =	seq.s32 s5, $0x1  }
0xb: {  	v4 =	vor.u32 $0x40, v0;
	v5 =	vor.u32 $0x50, v0;
	v6 =	vor.u32 $0x60, v0;
	s11 =	ssub.s32 s7, s8;
	s7 =	sadd.s32 s1, s10;
	p1 =	sne.s32 @!p0 s5, $0x0  }
0xc: {  	v7 =	vor.u32 $0x70, v0;
	v8 =	vmul.u32 $0x20, v0;
	v9 =	vsel vm0, $0xA, v9;
	s8 =	sor.u32 $0x40, s5;
	s10 =	smax.u32 s11, $0x1;
	p1 =	por p1, p0  }
.LBB2_13:
0xd: {  	_ =	swait.ge [sflag:s18], $0x4000  }
0xe: {  	[sflag:s18] =	ssyncset.done $0x0  }
0xf: {  	s0 =	sshll.u32 @p0 s2, $0x6;
	[sflag:s18] =	ssyncadd.s32 $0xFFFFC000  }
0x10: {  	s0 =	sor.u32 @p0 $0x1C05, s0;
	s3 =	rddreg [dreg:$0x1]  }
0x11: {  	[hbm:s9], [sflag:s0] =	dma.local @p0 [hbm:s3], $0x100  }
0x12: {  	s19 =	sadd.s32 $0x1, s19;
	s0 =	simm.s32 @p0 $0x5  }
0x13: {  	p2 =	sne.s32 s19, s10;
	_ =	swait.ge @p0 [sflag:s0], $0x100  }
.Ltmp1:
0x14: {  	[sflag:s0] =	ssyncset.done @p0 $0x0;
	(pc) =	sbr.rel @!p2 .LBB2_14-.Ltmp1, $4  }
0x15: {  	[sflag:s0] =	ssyncadd.s32 @p0 $0xFFFFFF00;
	s0 =	simm.s32 @!p1 $0x4  }
0x16: {  	_ =	swait.ge @!p1 [sflag:s0], $0x4000  }
0x17: {  	[sflag:s0] =	ssyncset.done @!p1 $0x0  }
0x18: {  	[sflag:s0] =	ssyncadd.s32 @!p1 $0xFFFFC000  }
.LBB2_1:
.Ltmp2:
0x19: {  	(pc) =	sbr.rel .LBB2_2-.Ltmp2, $3  }
0x1a: {  	_ =	sdelay $0x1  }
0x1b: {  	s0 =	simm.s32 $0x1000;
	s20 =	simm.s32 $0x0  }
0x1c: {  	[tilespmem:s4], [sflag:$0x1] =	stream.strided.gather [hbm4b:s7+s0], $0x4000, s12, s0, $0x38;
	[tilespmem:$0x10000] =	vst v63  }
.LBB2_12:
0x1d: {  	s20 =	sadd.s32 $0x1, s20  }
0x1e: {  	p2 =	sne.s32 s20, $0x1F  }
.Ltmp3:
0x1f: {  	_ = 	snop;
	(pc) =	sbr.rel @!p2 .LBB2_13-.Ltmp3, $1  }
0x20: {  	_ =	sdelay $0x3  }
.LBB2_2:
0x21: {  	s22 =	sshll.u32 s20, $0x6  }
0x22: {  	s23 =	sor.u32 s5, s22  }
0x23: {  	s21 =	sor.u32 $0x20, s23  }
0x24: {  	p3 =	sgt.u32 s21, $0x7A0  }
0x25: {  	s24 =	sshll.u32 @!p3 s21, $0x9;
	s25 =	simm.s32 @!p3 $0x1000  }
0x26: {  	s26 =	simm.s32 @!p3 $0x7A1400;
	s28 =	simm.s32 @!p3 $0x4000;
	s24 =	sadd.s32 @!p3 s1, s24  }
0x27: {  	[tilespmem:s28], [sflag:$0x2] =	stream.strided.gather @!p3 [hbm4b:s24+s25], $0x4000, s26, s25, $0x38;
	[tilespmem:$0x10000] =	vst v63  }
0x28: {  	_ =	swait.ge [sflag:s13], $0x4000  }
0x29: {  	p2 =	seq.s32 s20, $0x0;
	[sflag:s13] =	ssyncset.done $0x0  }
0x2a: {  	s24 =	simm.s32 @!p2 $0x3;
	[sflag:s13] =	ssyncadd.s32 $0xFFFFC000  }
0x2b: {  	_ =	swait.ge @!p2 [sflag:s24], $0x4000  }
0x2c: {  	[sflag:s24] =	ssyncset.done @!p2 $0x0  }
0x2d: {  	[sflag:s24] =	ssyncadd.s32 @!p2 $0xFFFFC000;
	s24 =	simm.s32 $0x0  }
.LBB2_3:
0x2e: {  	v11 =	vadd.s32 s24, v0  }
0x2f: {  	s25 =	simm.s32 $0x70;
	s26 =	simm.s32 $0x0;
	s28 =	simm.s32 $0x10;
	v10 =	vshll.u32 v11, $0x9;
	v12 =	vshll.u32 v11, $0x7;
	v11 =	vand.u32 $0x1F, v11  }
0x30: {  	s3 =	simm.s32 $0x20;
	s11 =	simm.s32 $0x30;
	s29 =	simm.s32 $0x40;
	v20 =	vmov s25;
	v21 =	vmov s26;
	v22 =	vmov s28  }
0x31: {  	s30 =	simm.s32 $0x50;
	s31 =	simm.s32 $0x60;
	v23 =	vmov s3;
	v24 =	vmov s11;
	v25 =	vmov s29  }
0x32: {  	v26 =	vmov s30;
	v27 =	vmov s31;
	v13 =	vand.u32 $0x3000, v10  }
0x33: {  	v10 =	vand.u32 $0x380, v12;
	v11 =	vor.u32 v8, v11;
	v20 =	vshrl.u32 v20, $0x7  }
0x34: {  	v21 =	vshrl.u32 v21, $0x7;
	v22 =	vshrl.u32 v22, $0x7;
	v23 =	vshrl.u32 v23, $0x7  }
0x35: {  	v24 =	vshrl.u32 v24, $0x7;
	v25 =	vshrl.u32 v25, $0x7;
	v26 =	vshrl.u32 v26, $0x7  }
0x36: {  	v27 =	vshrl.u32 v27, $0x7;
	v19 =	vor.u32 v10, v13;
	v12 =	vor.u32 v0, v13  }
0x37: {  	v21 =	vshll.u32 v21, v9;
	v22 =	vshll.u32 v22, v9;
	v23 =	vshll.u32 v23, v9  }
0x38: {  	v24 =	vshll.u32 v24, v9;
	v25 =	vshll.u32 v25, v9;
	v21 =	vbroadcast v21, $0x0  }
0x39: {  	s0 =	simm.s32 $0x0;
	s3 =	simm.s32 $0x200;
	v26 =	vshll.u32 v26, v9;
	v27 =	vshll.u32 v27, v9;
	v20 =	vshll.u32 v20, v9  }
0x3a: {  	v31 =	vor.u32 s0, v11;
	v29 =	vor.u32 s3, v11;
	v21 =	vor.u32 v21, v12  }
0x3b: {  	v13 =	vor.u32 v1, v19;
	v14 =	vor.u32 v2, v19;
	v21 =	vor.u32 v10, v21  }
0x3c: {  	v15 =	vor.u32 v3, v19;
	v16 =	vor.u32 v4, v19;
	v22 =	vbroadcast v22, $0x0  }
0x3d: {  	v17 =	vor.u32 v5, v19;
	v18 =	vor.u32 v6, v19;
	v23 =	vbroadcast v23, $0x0  }
0x3e: {  	v19 =	vor.u32 v7, v19;
	v24 =	vbroadcast v24, $0x0;
	v34 =	vadd.s32 v13, v22  }
0x3f: {  	v20 =	vbroadcast v20, $0x0;
	v22 =	vbroadcast v25, $0x0;
	v32 =	vadd.s32 v14, v23  }
0x40: {  	s31 =	simm.s32 $0xC00;
	v25 =	vbroadcast v26, $0x0;
	v23 =	vbroadcast v27, $0x0;
	v33 =	vadd.s32 v15, v24;
	v30 =	vld.idx.msk [tilespmem:v21+s4+$0x0], $0xffff  }
0x41: {  	s11 =	simm.s32 $0x400;
	v24 =	vadd.s32 v19, v20;
	v20 =	vor.u32 s31, v11;
	v27 =	vadd.s32 v16, v22  }
0x42: {  	s28 =	simm.s32 $0x600;
	s29 =	simm.s32 $0x800;
	s30 =	simm.s32 $0xA00;
	v28 =	vadd.s32 v17, v25;
	v26 =	vadd.s32 v18, v23;
	v25 =	vor.u32 s11, v11  }
0x43: {  	s25 =	simm.s32 $0xE00;
	s26 =	simm.s32 $0x0;
	v22 =	vor.u32 s28, v11;
	v23 =	vor.u32 s29, v11;
	s28 =	simm.s32 $0xF0;
	v34 =	vld.idx.msk [tilespmem:v34+s4+$0x0], $0xffff;
	v21 =	vor.u32 s30, v11  }
.LBB2_4:
0x44: {  	s29 =	sadd.s32 $0xFFFFFF90, s28;
	s30 =	sadd.s32 $0xFFFFFFA0, s28;
	v35 =	vmov s28;
	s26 =	sadd.s32 $0x8, s26;
	v32 =	vld.idx.msk [tilespmem:v32+s4+$0x0], $0xffff;
	v36 =	vor.u32 s25, v11  }
0x45: {  	v37 =	vmov s29;
	v38 =	vmov s30;
	s29 =	sadd.s32 $0xFFFFFFB0, s28;
	s30 =	sadd.s32 $0xFFFFFFC0, s28;
	v35 =	vshrl.u32 v35, $0x7;
	p4 =	slt.u32 s26, $0x18;
	[tilespmem:v31+s14+$0x0] =	vst.idx.msk $0xffff, v30;
	v30 =	vld.idx.msk [tilespmem:v33+s4+$0x0], $0xffff  }
0x46: {  	s31 =	sadd.s32 $0xFFFFFFF0, s28;
	v31 =	vshrl.u32 v37, $0x7;
	v33 =	vmov s29;
	v37 =	vmov s30;
	s29 =	sadd.s32 $0xFFFFFFD0, s28;
	s30 =	sadd.s32 $0xFFFFFFE0, s28;
	v27 =	vld.idx.msk [tilespmem:v27+s4+$0x0], $0xffff  }
0x47: {  	v31 =	vshll.u32 v31, v9;
	v39 =	vmov s29;
	v40 =	vmov s30;
	v28 =	vld.idx.msk [tilespmem:v28+s4+$0x0], $0xffff  }
0x48: {  	v41 =	vmov s31;
	v38 =	vshrl.u32 v38, $0x7;
	v31 =	vbroadcast v31, $0x0;
	v26 =	vld.idx.msk [tilespmem:v26+s4+$0x0], $0xffff  }
0x49: {  	v33 =	vshrl.u32 v33, $0x7;
	v37 =	vshrl.u32 v37, $0x7;
	v39 =	vshrl.u32 v39, $0x7;
	[tilespmem:v29+s14+$0x0] =	vst.idx.msk $0xffff, v34;
	v24 =	vld.idx.msk [tilespmem:v24+s4+$0x0], $0xffff  }
0x4a: {  	v34 =	vshrl.u32 v41, $0x7;
	v29 =	vor.u32 v31, v12;
	v31 =	vshrl.u32 v40, $0x7;
	[tilespmem:v25+s14+$0x0] =	vst.idx.msk $0xffff, v32  }
0x4b: {  	v32 =	vshll.u32 v33, v9;
	v25 =	vor.u32 v10, v29;
	v29 =	vshll.u32 v38, v9  }
0x4c: {  	v33 =	vshll.u32 v37, v9;
	v37 =	vshll.u32 v39, v9;
	v31 =	vshll.u32 v31, v9  }
0x4d: {  	v35 =	vshll.u32 v35, v9;
	v34 =	vshll.u32 v34, v9;
	v29 =	vbroadcast v29, $0x0;
	[tilespmem:v22+s14+$0x0] =	vst.idx.msk $0xffff, v30  }
0x4e: {  	s25 =	sadd.s32 $0x1000, s25;
	v33 =	vbroadcast v33, $0x0;
	v22 =	vbroadcast v32, $0x0;
	[tilespmem:v23+s14+$0x0] =	vst.idx.msk $0xffff, v27  }
0x4f: {  	s31 =	sadd.s32 $0xFFFFF600, s25;
	v23 =	vadd.s32 v13, v29;
	v27 =	vbroadcast v37, $0x0;
	v29 =	vbroadcast v31, $0x0;
	[tilespmem:v21+s14+$0x0] =	vst.idx.msk $0xffff, v28  }
.Ltmp4:
0x50: {  	s29 =	sadd.s32 $0xFFFFF200, s25;
	s30 =	sadd.s32 $0xFFFFF400, s25;
	v32 =	vadd.s32 v14, v22;
	v21 =	vbroadcast v34, $0x0;
	v22 =	vbroadcast v35, $0x0;
	v30 =	vld.idx.msk [tilespmem:v25+s4+$0x0], $0xffff;
	[tilespmem:v20+s14+$0x0] =	vst.idx.msk $0xffff, v26;
	(pc) =	sbr.rel @p4 .LBB2_4-.Ltmp4, $4  }
0x51: {  	s0 =	sadd.s32 $0xFFFFFA00, s25;
	s3 =	sadd.s32 $0xFFFFFC00, s25;
	v33 =	vadd.s32 v15, v33;
	v31 =	vor.u32 s29, v11;
	s29 =	sadd.s32 $0xFFFFF800, s25;
	v27 =	vadd.s32 v16, v27;
	[tilespmem:v36+s14+$0x0] =	vst.idx.msk $0xffff, v24  }
0x52: {  	s11 =	sadd.s32 $0xFFFFFE00, s25;
	v28 =	vadd.s32 v17, v29;
	v26 =	vadd.s32 v18, v21;
	v24 =	vadd.s32 v19, v22  }
0x53: {  	v29 =	vor.u32 s30, v11;
	v25 =	vor.u32 s31, v11;
	v22 =	vor.u32 s29, v11  }
0x54: {  	s28 =	sadd.s32 $0x80, s28;
	v20 =	vor.u32 s11, v11;
	v21 =	vor.u32 s3, v11;
	v34 =	vld.idx.msk [tilespmem:v23+s4+$0x0], $0xffff;
	v23 =	vor.u32 s0, v11  }
0x55: {  	_ =	sdelay $0x3  }
0x56: {  	v10 =	vld.idx.msk [tilespmem:v32+s4+$0x0], $0xffff  }
0x57: {  	v12 =	vld.idx.msk [tilespmem:v33+s4+$0x0], $0xffff  }
0x58: {  	v13 =	vld.idx.msk [tilespmem:v27+s4+$0x0], $0xffff  }
0x59: {  	[tilespmem:v31+s14+$0x0] =	vst.idx.msk $0xffff, v30;
	v14 =	vld.idx.msk [tilespmem:v28+s4+$0x0], $0xffff  }
0x5a: {  	v15 =	vld.idx.msk [tilespmem:v26+s4+$0x0], $0xffff;
	s24 =	sadd.s32 $0x1, s24;
	[tilespmem:v29+s14+$0x0] =	vst.idx.msk $0xffff, v34  }
0x5b: {  	v11 =	vor.u32 s25, v11;
	v16 =	vld.idx.msk [tilespmem:v24+s4+$0x0], $0xffff;
	p4 =	sne.s32 s24, $0x20;
	[tilespmem:v25+s14+$0x0] =	vst.idx.msk $0xffff, v10  }
.Ltmp5:
0x5c: {  	[tilespmem:v22+s14+$0x0] =	vst.idx.msk $0xffff, v12;
	(pc) =	sbr.rel @p4 .LBB2_3-.Ltmp5, $4  }
0x5d: {  	[tilespmem:v23+s14+$0x0] =	vst.idx.msk $0xffff, v13  }
0x5e: {  	[tilespmem:v21+s14+$0x0] =	vst.idx.msk $0xffff, v14  }
0x5f: {  	[tilespmem:v20+s14+$0x0] =	vst.idx.msk $0xffff, v15  }
0x60: {  	[tilespmem:v11+s14+$0x0] =	vst.idx.msk $0xffff, v16  }
.Ltmp6:
0x61: {  	(pc) =	sbr.rel @p3 .LBB2_12-.Ltmp6, $4  }
0x62: {  	_ = 	snop  }
0x63: {  	s0 =	sshll.u32 s23, $0xB  }
0x64: {  	s0 =	sadd.s32 s6, s0  }
0x65: {  	[hbm4b:s0+s4] =	stream.linear.scatter [tilespmem:s14], [sflag:$0x3], $0x4000, $0x38;
	[tilespmem:$0x10000] =	vst v63  }
0x66: {  	s0 =	sadd.s32 s8, s22  }
0x67: {  	p3 =	sgt.u32 s0, $0x7A0  }
0x68: {  	s0 =	sshll.u32 @!p3 s0, $0x9;
	s3 =	simm.s32 @!p3 $0x1000  }
0x69: {  	s11 =	simm.s32 @!p3 $0x7A1400;
	s22 =	simm.s32 @!p3 $0x0;
	s0 =	sadd.s32 @!p3 s1, s0  }
0x6a: {  	[tilespmem:s22], [sflag:$0x1] =	stream.strided.gather @!p3 [hbm4b:s0+s3], $0x4000, s11, s3, $0x38;
	[tilespmem:$0x10000] =	vst v63  }
0x6b: {  	_ =	swait.ge [sflag:s15], $0x4000  }
0x6c: {  	[sflag:s15] =	ssyncset.done $0x0  }
0x6d: {  	s0 =	simm.s32 @!p2 $0x4;
	[sflag:s15] =	ssyncadd.s32 $0xFFFFC000  }
0x6e: {  	_ =	swait.ge @!p2 [sflag:s0], $0x4000  }
0x6f: {  	[sflag:s0] =	ssyncset.done @!p2 $0x0  }
0x70: {  	s22 =	simm.s32 $0x0;
	[sflag:s0] =	ssyncadd.s32 @!p2 $0xFFFFC000  }
.LBB2_8:
0x71: {  	v11 =	vadd.s32 s22, v0  }
0x72: {  	s0 =	simm.s32 $0x70;
	s3 =	simm.s32 $0x0;
	s11 =	simm.s32 $0x10;
	v10 =	vshll.u32 v11, $0x9;
	v12 =	vshll.u32 v11, $0x7;
	v11 =	vand.u32 $0x1F, v11  }
0x73: {  	s23 =	simm.s32 $0x30;
	s24 =	simm.s32 $0x40;
	s25 =	simm.s32 $0x50;
	v20 =	vmov s0;
	v21 =	vmov s3;
	v22 =	vmov s11  }
0x74: {  	s26 =	simm.s32 $0x60;
	v24 =	vmov s23;
	v25 =	vmov s24;
	v26 =	vmov s25  }
0x75: {  	v27 =	vmov s26;
	v13 =	vand.u32 $0x3000, v10;
	v10 =	vand.u32 $0x380, v12  }
0x76: {  	s11 =	simm.s32 $0x20;
	v11 =	vor.u32 v8, v11;
	v20 =	vshrl.u32 v20, $0x7;
	v21 =	vshrl.u32 v21, $0x7  }
0x77: {  	v23 =	vmov s11;
	v22 =	vshrl.u32 v22, $0x7;
	v24 =	vshrl.u32 v24, $0x7  }
0x78: {  	v25 =	vshrl.u32 v25, $0x7;
	v26 =	vshrl.u32 v26, $0x7;
	v27 =	vshrl.u32 v27, $0x7  }
0x79: {  	v19 =	vor.u32 v10, v13;
	v12 =	vor.u32 v0, v13;
	v21 =	vshll.u32 v21, v9  }
0x7a: {  	v23 =	vshrl.u32 v23, $0x7;
	v22 =	vshll.u32 v22, v9;
	v24 =	vshll.u32 v24, v9  }
0x7b: {  	s28 =	simm.s32 $0x0;
	v25 =	vshll.u32 v25, v9;
	v26 =	vshll.u32 v26, v9;
	v21 =	vbroadcast v21, $0x0  }
0x7c: {  	s29 =	simm.s32 $0x200;
	v27 =	vshll.u32 v27, v9;
	v20 =	vshll.u32 v20, v9;
	v31 =	vor.u32 s28, v11  }
0x7d: {  	v29 =	vor.u32 s29, v11;
	v13 =	vor.u32 v1, v19;
	v21 =	vor.u32 v21, v12  }
0x7e: {  	v14 =	vor.u32 v2, v19;
	v15 =	vor.u32 v3, v19;
	v21 =	vor.u32 v10, v21  }
0x7f: {  	v16 =	vor.u32 v4, v19;
	v23 =	vshll.u32 v23, v9;
	v22 =	vbroadcast v22, $0x0  }
0x80: {  	v17 =	vor.u32 v5, v19;
	v18 =	vor.u32 v6, v19;
	v23 =	vbroadcast v23, $0x0  }
0x81: {  	v24 =	vbroadcast v24, $0x0;
	v20 =	vbroadcast v20, $0x0;
	v34 =	vadd.s32 v13, v22  }
0x82: {  	v19 =	vor.u32 v7, v19;
	v22 =	vbroadcast v25, $0x0;
	v32 =	vadd.s32 v14, v23  }
0x83: {  	s28 =	simm.s32 $0xC00;
	v25 =	vbroadcast v26, $0x0;
	v33 =	vadd.s32 v15, v24;
	v24 =	vadd.s32 v19, v20;
	v30 =	vld.idx.msk [tilespmem:v21+s16+$0x0], $0xffff  }
0x84: {  	s30 =	simm.s32 $0x400;
	s31 =	simm.s32 $0x600;
	v20 =	vor.u32 s28, v11;
	v23 =	vbroadcast v27, $0x0;
	v27 =	vadd.s32 v16, v22  }
0x85: {  	s25 =	simm.s32 $0x800;
	s26 =	simm.s32 $0xA00;
	v28 =	vadd.s32 v17, v25;
	v25 =	vor.u32 s30, v11;
	v22 =	vor.u32 s31, v11  }
0x86: {  	s23 =	simm.s32 $0xE00;
	s24 =	simm.s32 $0x0;
	v26 =	vadd.s32 v18, v23;
	v23 =	vor.u32 s25, v11;
	s25 =	simm.s32 $0xF0;
	v34 =	vld.idx.msk [tilespmem:v34+s16+$0x0], $0xffff;
	v21 =	vor.u32 s26, v11  }
.LBB2_9:
0x87: {  	s0 =	sadd.s32 $0xFFFFFF90, s25;
	s3 =	sadd.s32 $0xFFFFFFA0, s25;
	v35 =	vmov s25;
	s24 =	sadd.s32 $0x8, s24;
	v32 =	vld.idx.msk [tilespmem:v32+s16+$0x0], $0xffff;
	v36 =	vor.u32 s23, v11  }
0x88: {  	v37 =	vmov s0;
	v38 =	vmov s3;
	s0 =	sadd.s32 $0xFFFFFFB0, s25;
	s3 =	sadd.s32 $0xFFFFFFC0, s25;
	v35 =	vshrl.u32 v35, $0x7;
	p2 =	slt.u32 s24, $0x18;
	[tilespmem:v31+s17+$0x0] =	vst.idx.msk $0xffff, v30;
	v30 =	vld.idx.msk [tilespmem:v33+s16+$0x0], $0xffff  }
0x89: {  	s11 =	sadd.s32 $0xFFFFFFF0, s25;
	v31 =	vshrl.u32 v37, $0x7;
	v33 =	vmov s0;
	v37 =	vmov s3;
	s0 =	sadd.s32 $0xFFFFFFD0, s25;
	s3 =	sadd.s32 $0xFFFFFFE0, s25;
	v27 =	vld.idx.msk [tilespmem:v27+s16+$0x0], $0xffff  }
0x8a: {  	v31 =	vshll.u32 v31, v9;
	v39 =	vmov s0;
	v40 =	vmov s3;
	v28 =	vld.idx.msk [tilespmem:v28+s16+$0x0], $0xffff  }
0x8b: {  	v41 =	vmov s11;
	v38 =	vshrl.u32 v38, $0x7;
	v31 =	vbroadcast v31, $0x0;
	v26 =	vld.idx.msk [tilespmem:v26+s16+$0x0], $0xffff  }
0x8c: {  	v33 =	vshrl.u32 v33, $0x7;
	v37 =	vshrl.u32 v37, $0x7;
	v39 =	vshrl.u32 v39, $0x7;
	[tilespmem:v29+s17+$0x0] =	vst.idx.msk $0xffff, v34;
	v24 =	vld.idx.msk [tilespmem:v24+s16+$0x0], $0xffff  }
0x8d: {  	v34 =	vshrl.u32 v41, $0x7;
	v29 =	vor.u32 v31, v12;
	v31 =	vshrl.u32 v40, $0x7;
	[tilespmem:v25+s17+$0x0] =	vst.idx.msk $0xffff, v32  }
0x8e: {  	v32 =	vshll.u32 v33, v9;
	v25 =	vor.u32 v10, v29;
	v29 =	vshll.u32 v38, v9  }
0x8f: {  	v33 =	vshll.u32 v37, v9;
	v37 =	vshll.u32 v39, v9;
	v31 =	vshll.u32 v31, v9  }
0x90: {  	v35 =	vshll.u32 v35, v9;
	v34 =	vshll.u32 v34, v9;
	v29 =	vbroadcast v29, $0x0;
	[tilespmem:v22+s17+$0x0] =	vst.idx.msk $0xffff, v30  }
0x91: {  	s23 =	sadd.s32 $0x1000, s23;
	v33 =	vbroadcast v33, $0x0;
	v22 =	vbroadcast v32, $0x0;
	[tilespmem:v23+s17+$0x0] =	vst.idx.msk $0xffff, v27  }
0x92: {  	s11 =	sadd.s32 $0xFFFFF600, s23;
	v23 =	vadd.s32 v13, v29;
	v27 =	vbroadcast v37, $0x0;
	v29 =	vbroadcast v31, $0x0;
	[tilespmem:v21+s17+$0x0] =	vst.idx.msk $0xffff, v28  }
.Ltmp7:
0x93: {  	s0 =	sadd.s32 $0xFFFFF200, s23;
	s3 =	sadd.s32 $0xFFFFF400, s23;
	v32 =	vadd.s32 v14, v22;
	v21 =	vbroadcast v34, $0x0;
	v22 =	vbroadcast v35, $0x0;
	v30 =	vld.idx.msk [tilespmem:v25+s16+$0x0], $0xffff;
	[tilespmem:v20+s17+$0x0] =	vst.idx.msk $0xffff, v26;
	(pc) =	sbr.rel @p2 .LBB2_9-.Ltmp7, $4  }
0x94: {  	s26 =	sadd.s32 $0xFFFFFA00, s23;
	s28 =	sadd.s32 $0xFFFFFC00, s23;
	v33 =	vadd.s32 v15, v33;
	v31 =	vor.u32 s0, v11;
	s0 =	sadd.s32 $0xFFFFF800, s23;
	v27 =	vadd.s32 v16, v27;
	[tilespmem:v36+s17+$0x0] =	vst.idx.msk $0xffff, v24  }
0x95: {  	s29 =	sadd.s32 $0xFFFFFE00, s23;
	v28 =	vadd.s32 v17, v29;
	v26 =	vadd.s32 v18, v21;
	v24 =	vadd.s32 v19, v22  }
0x96: {  	v29 =	vor.u32 s3, v11;
	v25 =	vor.u32 s11, v11;
	v22 =	vor.u32 s0, v11  }
0x97: {  	s25 =	sadd.s32 $0x80, s25;
	v20 =	vor.u32 s29, v11;
	v21 =	vor.u32 s28, v11;
	v34 =	vld.idx.msk [tilespmem:v23+s16+$0x0], $0xffff;
	v23 =	vor.u32 s26, v11  }
0x98: {  	_ =	sdelay $0x3  }
0x99: {  	v10 =	vld.idx.msk [tilespmem:v32+s16+$0x0], $0xffff  }
0x9a: {  	v12 =	vld.idx.msk [tilespmem:v33+s16+$0x0], $0xffff  }
0x9b: {  	v13 =	vld.idx.msk [tilespmem:v27+s16+$0x0], $0xffff  }
0x9c: {  	[tilespmem:v31+s17+$0x0] =	vst.idx.msk $0xffff, v30;
	v14 =	vld.idx.msk [tilespmem:v28+s16+$0x0], $0xffff  }
0x9d: {  	v15 =	vld.idx.msk [tilespmem:v26+s16+$0x0], $0xffff;
	s22 =	sadd.s32 $0x1, s22;
	[tilespmem:v29+s17+$0x0] =	vst.idx.msk $0xffff, v34  }
0x9e: {  	v11 =	vor.u32 s23, v11;
	v16 =	vld.idx.msk [tilespmem:v24+s16+$0x0], $0xffff;
	p2 =	sne.s32 s22, $0x20;
	[tilespmem:v25+s17+$0x0] =	vst.idx.msk $0xffff, v10  }
.Ltmp8:
0x9f: {  	[tilespmem:v22+s17+$0x0] =	vst.idx.msk $0xffff, v12;
	(pc) =	sbr.rel @p2 .LBB2_8-.Ltmp8, $4  }
0xa0: {  	[tilespmem:v23+s17+$0x0] =	vst.idx.msk $0xffff, v13  }
0xa1: {  	[tilespmem:v21+s17+$0x0] =	vst.idx.msk $0xffff, v14  }
0xa2: {  	[tilespmem:v20+s17+$0x0] =	vst.idx.msk $0xffff, v15  }
0xa3: {  	[tilespmem:v11+s17+$0x0] =	vst.idx.msk $0xffff, v16  }
.Ltmp9:
0xa4: {  	(pc) =	sbr.rel .LBB2_12-.Ltmp9, $4  }
0xa5: {  	_ = 	snop  }
0xa6: {  	s0 =	sshll.u32 s21, $0xB  }
0xa7: {  	s0 =	sadd.s32 s6, s0  }
0xa8: {  	[hbm4b:s0+s4] =	stream.linear.scatter [tilespmem:s17], [sflag:$0x4], $0x4000, $0x38;
	[tilespmem:$0x10000] =	vst v63  }
.LBB2_14:
0xa9: {  	_ =	sfence.sel $0x180000  }
0xaa: {  	[bflag:$0x0] =	sbarrier.arrive $0xFFFF  }
0xab: {  	_ =	strace $0x90000047  }
0xac: {  	[bflag:$0x2] =	sbarrier.arrive $0xFFFF  }
0xad: {  	p0 =	sne.s32 s2, $0x0;
	s0 =	rddreg [dreg:$0x3]  }
0xae: {  	s0 =	sadd.s32 @!p0 $0x100000, s0  }
0xaf: {  	[sflag:s0] =	ssyncadd.tile.s32 @!p0 $0x1;
	_ =	shalt  }
.Lfunc_end2:
_tile_overlayer_lowered:
.L_overlay_start_2:
0xb0: {  	(tag) =	ssettag $0x2  }
0xb1: {  	s0 =	rddreg [dreg:$0x0];
	s2 =	stileid.u32  }
0xb2: {  	s1 =	rddreg [dreg:$0x1];
	p0 =	sne.s32 s2, $0x0  }
0xb3: {  	s3 =	rddreg [dreg:$0x2];
	[bflag:$0x3] =	sbarrier.arrive $0xFFFF;
	s2 =	simm.s32 @!p0 $0x1C05  }
0xb4: {  	[timem:s3], [sflag:s2] =	dma.local @!p0 [hbm:s0], s1  }
0xb5: {  	s0 =	simm.s32 @!p0 $0x5  }
0xb6: {  	_ =	swait.ge @!p0 [sflag:s0], s1  }
0xb7: {  	s1 =	ssub.s32 @!p0 $0x0, s1;
	[sflag:s0] =	ssyncset.done @!p0 $0x0  }
0xb8: {  	[sflag:s0] =	ssyncadd.s32 @!p0 s1  }
0xb9: {  	[bflag:$0x3] =	sbarrier.arrive $0xFFFF  }
0xba: {  	_ =	shalt  }

// kernel: kernel.8.cloned.1.call-start
scs
__scs_entry_jumppad:
0x0: {  	(pc) =	sbr.rel $0x88, $3  }
0x1: {  	(tag) =	ssettag $0x0;
	lr =	simm.s32 $0x1  }
0x2: {  	[smem:$0x3F9C] =	sst lr;
	_ =	strace $0xD0000000  }
0x3: {  	_ = 	snop  }
0x4: {  	_ = 	snop  }
0x5: {  	_ = 	snop  }
0x6: {  	_ = 	snop  }
0x7: {  	_ = 	snop  }
__scs_overlays_trampoline_lowered:
0x8: {  	[smem:$0x3FAB] =	sst s0  }
0x9: {  	[smem:$0x3FAC] =	sst s1  }
0xa: {  	[smem:$0x3FAD] =	sst s2  }
0xb: {  	[smem:$0x3FAE] =	sst s3  }
0xc: {  	[smem:$0x3FAF] =	sst s4  }
0xd: {  	[smem:$0x3FB0] =	sst s5  }
0xe: {  	[smem:$0x3FB1] =	sst s6  }
0xf: {  	[smem:$0x3FB2] =	sst s7  }
0x10: {  	[smem:$0x3FB3] =	sst s8  }
0x11: {  	[smem:$0x3FB4] =	sst s9;
	s0 =	simm.s32 @!p0 $0x0  }
0x12: {  	s1 =	sld [smem:$0x3F9A];
	s0 =	simm.s32 @p0 $0x1  }
0x13: {  	[smem:$0x3FB5] =	sst s0;
	s0 =	simm.s32 @!p1 $0x0  }
0x14: {  	s2 =	sld [smem:$0x3F99];
	s0 =	simm.s32 @p1 $0x1  }
0x15: {  	[smem:$0x3FB6] =	sst s0;
	s0 =	simm.s32 @!p2 $0x0  }
0x16: {  	s3 =	sld [smem:$0x3FDB];
	s0 =	simm.s32 @p2 $0x1  }
0x17: {  	s4 =	simm.s32 $0x1BF5;
	[smem:$0x3FB8] =	sst s0  }
0x18: {  	s0 =	sld [smem:$0x3F9B];
	_ =	swait.ge [sflag:s4], $0x0  }
0x19: {  	s7 =	sld [smem:$0x3F9C]  }
0x1a: {  	s8 =	sadd.s32 $0xFFFFE003, lr  }
0x1b: {  	s9 =	sadd.s32 $0xFFFFFEF7, lr;
	s5 =	simm.s32 $0xFFFFFFFF;
	p2 =	slt.u32 s8, $0xFFFFF086  }
0x1c: {  	p1 =	slt.u32 s9, $0xF7A;
	s5 =	simm.s32 @!p2 $0x0  }
0x1d: {  	s5 =	simm.s32 @p1 $0x1;
	p0 =	seq.s32 s7, s2  }
0x1e: {  	s7 =	smul.u32 @!p0 $0xF7A, s2;
	p2 =	seq.s32 @!p0 s5, $0x0  }
0x1f: {  	s9 =	smul.u32 $0xF7A, s1;
	s8 =	simm.s32 @!p0 $0x1BF5;
	p2 =	por !p2, p0  }
0x20: {  	[sflag:s8] =	ssyncset.s32 @!p0 $0xFFFFF086;
	s6 =	sadd.s32 @!p0 s3, s7;
	s7 =	simm.s32 @!p0 $0x108  }
0x21: {  	s3 =	sadd.s32 s3, s9;
	s6 =	sadd.s32 @!p0 $0x88, s6;
	s7 =	simm.s32 @p2 $0x1082  }
0x22: {  	[simem:s7], [sflag:s8] =	dma.local @!p0 [hbm:s6], $0xF7A  }
0x23: {  	s9 =	sor.u32 $0xD0000000, s2;
	s6 =	simm.s32 $0x108;
	_ =	swait.ge @!p0 [sflag:s8], $0x0  }
0x24: {  	s3 =	sadd.s32 $0x88, s3;
	s6 =	simm.s32 @!p1 $0x1082;
	[sflag:s4] =	ssyncset.s32 $0xFFFFF086  }
0x25: {  	[simem:s6], [sflag:s4] =	dma.local [hbm:s3], $0xF7A  }
0x26: {  	[smem:$0x3F9C] =	sst s1;
	(tag) =	ssettag s2;
	_ =	strace s9  }
0x27: {  	s1 =	sld [smem:$0x3FAC]  }
0x28: {  	s2 =	sld [smem:$0x3FAD]  }
0x29: {  	s4 =	sld [smem:$0x3FAF]  }
0x2a: {  	p0 =	seq.s32 s5, $0x0;
	s5 =	sld [smem:$0x3FB0]  }
0x2b: {  	s6 =	sld [smem:$0x3FB1]  }
0x2c: {  	s7 =	sld [smem:$0x3FB2]  }
0x2d: {  	s3 =	simm.s32 $0x108;
	s8 =	sld [smem:$0x3FB3]  }
0x2e: {  	s3 =	simm.s32 @!p0 $0x1082;
	s9 =	sld [smem:$0x3FB4]  }
0x2f: {  	lr =	sadd.s32 s0, s3;
	s0 =	sld [smem:$0x3FAB]  }
0x30: {  	s3 =	sld [smem:$0x3FAE]  }
0x31: {  	[smem:$0x3FB7] =	sst s10  }
0x32: {  	s10 =	sld [smem:$0x3FB5];
	_ =	sdelay $0x3  }
0x33: {  	p0 =	seq.s32 s10, $0x1;
	s10 =	sld [smem:$0x3FB7];
	_ =	sdelay $0x3  }
0x34: {  	[smem:$0x3FB7] =	sst s10  }
0x35: {  	s10 =	sld [smem:$0x3FB6];
	_ =	sdelay $0x3  }
0x36: {  	p1 =	seq.s32 s10, $0x1;
	s10 =	sld [smem:$0x3FB7];
	_ =	sdelay $0x3  }
0x37: {  	[smem:$0x3FB7] =	sst s10  }
0x38: {  	s10 =	sld [smem:$0x3FB8]  }
0x39: {  	_ = 	snop;
	(pc) =	sbr.ind lr, $3  }
0x3a: {  	_ = 	snop  }
0x3b: {  	_ = 	snop  }
0x3c: {  	p2 =	seq.s32 s10, $0x1;
	s10 =	sld [smem:$0x3FB7]  }
0x3d: {  	_ =	shalt  }
0x3e: {  	_ =	shalt  }
0x3f: {  	_ =	shalt  }
0x40: {  	_ =	shalt  }
0x41: {  	_ =	shalt  }
0x42: {  	_ =	shalt  }
0x43: {  	_ =	shalt  }
0x44: {  	_ =	shalt  }
0x45: {  	_ =	shalt  }
0x46: {  	_ =	shalt  }
0x47: {  	_ =	shalt  }
0x48: {  	_ =	shalt  }
0x49: {  	_ =	shalt  }
0x4a: {  	_ =	shalt  }
0x4b: {  	_ =	shalt  }
0x4c: {  	_ =	shalt  }
0x4d: {  	_ =	shalt  }
0x4e: {  	_ =	shalt  }
0x4f: {  	_ =	shalt  }
0x50: {  	_ =	shalt  }
0x51: {  	_ =	shalt  }
0x52: {  	_ =	shalt  }
0x53: {  	_ =	shalt  }
0x54: {  	_ =	shalt  }
0x55: {  	_ =	shalt  }
0x56: {  	_ =	shalt  }
0x57: {  	_ =	shalt  }
0x58: {  	_ =	shalt  }
0x59: {  	_ =	shalt  }
0x5a: {  	_ =	shalt  }
0x5b: {  	_ =	shalt  }
0x5c: {  	_ =	shalt  }
0x5d: {  	_ =	shalt  }
0x5e: {  	_ =	shalt  }
0x5f: {  	_ =	shalt  }
0x60: {  	_ =	shalt  }
0x61: {  	_ =	shalt  }
0x62: {  	_ =	shalt  }
0x63: {  	_ =	shalt  }
0x64: {  	_ =	shalt  }
0x65: {  	_ =	shalt  }
0x66: {  	_ =	shalt  }
0x67: {  	_ =	shalt  }
0x68: {  	_ =	shalt  }
0x69: {  	_ =	shalt  }
0x6a: {  	_ =	shalt  }
0x6b: {  	_ =	shalt  }
0x6c: {  	_ =	shalt  }
0x6d: {  	_ =	shalt  }
0x6e: {  	_ =	shalt  }
0x6f: {  	_ =	shalt  }
0x70: {  	_ =	shalt  }
0x71: {  	_ =	shalt  }
0x72: {  	_ =	shalt  }
0x73: {  	_ =	shalt  }
0x74: {  	_ =	shalt  }
0x75: {  	_ =	shalt  }
0x76: {  	_ =	shalt  }
0x77: {  	_ =	shalt  }
0x78: {  	_ =	shalt  }
0x79: {  	_ =	shalt  }
0x7a: {  	_ =	shalt  }
0x7b: {  	_ =	shalt  }
0x7c: {  	_ =	shalt  }
0x7d: {  	_ =	shalt  }
0x7e: {  	_ =	shalt  }
0x7f: {  	_ =	shalt  }
0x80: {  	_ =	shalt  }
0x81: {  	_ =	shalt  }
0x82: {  	_ =	shalt  }
0x83: {  	_ =	shalt  }
0x84: {  	_ =	shalt  }
0x85: {  	_ =	shalt  }
0x86: {  	_ =	shalt  }
0x87: {  	_ =	shalt  }
.Lfunc_end0:
.L_simem_size_0:
called_computation.1_lowered:
.L_overlay_start_0:
0x88: {  	s2 =	sld [smem:$0x3FD9]  }
0x89: {  	s3 =	sld [smem:$0x3FFE];
	_ =	sdelay $0x1  }
0x8a: {  	s1 =	srdreg.scid  }
0x8b: {  	s0 =	sand.u32 $0x1, s1  }
0x8c: {  	s16 =	sshll.u32 s0, $0xA;
	s2 =	sadd.s32 s3, s2  }
0x8d: {  	s2 =	sadd.s32 s2, s16  }
0x8e: {  	[smem:$0x3FC3] =	sst s2  }
0x8f: {  	_ = 	snop  }
0x90: {  	(tm) =	ssettm $0x1  }
0x91: {  	s17 =	sld [smem:$0x3FFB];
	_ =	sdelay $0x3  }
0x92: {  	_ =	strace s17  }
0x93: {  	s2 =	sld [smem:$0x3FFC];
	_ =	sdelay $0x3  }
0x94: {  	_ =	strace s2  }
0x95: {  	s2 =	sld [smem:$0x3FFD];
	_ =	sdelay $0x3  }
0x96: {  	_ =	strace s2  }
0x97: {  	_ =	strace $0x8FFFFFFF  }
0x98: {  	s18 =	sld [smem:$0x3FDB];
	_ =	sdelay $0x1  }
0x99: {  	s19 =	simm.s32 $_scs_section_size  }
0x9a: {  	s4 =	simm.s32 $_size__tile_overlayer_lowered;
	s5 =	simm.s32 $_tile_overlayer_lowered  }
0x9b: {  	s22 =	simm.s32 $0x1BFF;
	s21 =	sshll.u32 s5, $0x1;
	s2 =	sadd.s32 s19, s18  }
0x9c: {  	s6 =	simm.s32 $0x0;
	s20 =	sshll.u32 s4, $0x1;
	s4 =	sadd.s32 s21, s2  }
0x9d: {  	[timem:s6], [sflag:s22] =	dma.local [hbm:s4], s20  }
0x9e: {  	_ =	swait.ge [sflag:s22], s20  }
0x9f: {  	s3 =	ssub.s32 $0x0, s20;
	[sflag:s22] =	ssyncset.done $0x0  }
0xa0: {  	[sflag:s22] =	ssyncadd.s32 s3;
	_ =	sdelay $0x1  }
0xa1: {  	s23 =	simm.s32 $0x1B8B  }
0xa2: {  	_ =	swait.ge [sflag:s23], $0x1  }
0xa3: {  	[sflag:s23] =	ssyncset.done $0x0  }
0xa4: {  	s25 =	simm.s32 $0x1B8E;
	s24 =	sld [smem:$0x3FFE];
	[sflag:s23] =	ssyncadd.s32 $0xFFFFFFFF  }
0xa5: {  	s26 =	simm.s32 $execute0_lowered;
	[smem:$0x3FD2] =	sst s25  }
0xa6: {  	s4 =	sshll.u32 s26, $0x1;
	_ =	strace $0x80000049;
	[dreg:$0x1] =	wrdreg $0xFFFFFFFF  }
0xa7: {  	s28 =	simm.s32 $_size_execute0_lowered;
	s2 =	sadd.s32 s2, s4;
	[dreg:$0x0] =	wrdreg $0x0  }
0xa8: {  	s4 =	sshll.u32 s28, $0x1;
	[dreg:$0x2] =	wrdreg s2  }
0xa9: {  	[dreg:$0x3] =	wrdreg s4  }
0xaa: {  	[dreg:$0x4] =	wrdreg $0xC0  }
0xab: {  	_ =	task [dreg:s6], $0x5FFFF  }
0xac: {  	[dreg:$0x1] =	wrdreg $0xFFFFFFFF  }
0xad: {  	[dreg:$0x0] =	wrdreg $0x60  }
0xae: {  	[dreg:$0x2] =	wrdreg s24  }
0xaf: {  	[dreg:$0x3] =	wrdreg $0x9  }
0xb0: {  	_ =	task.clear_ibuf [dreg:s6], $0x4FFFF;
	_ =	strace $0x90000049  }
0xb1: {  	s29 =	simm.s32 $0x9;
	_ =	strace $0x8000004B  }
0xb2: {  	_ =	swait.ge [sflag:s29], $0x1  }
0xb3: {  	[sflag:s29] =	ssyncadd.s32 $0xFFFFFFFF  }
0xb4: {  	_ =	strace $0x9000004B  }
0xb5: {  	_ =	sfence  }
0xb6: {  	s30 =	sld [smem:$0x0];
	_ =	sdelay $0x2  }
0xb7: {  	s31 =	sshll.u32 s1, $0xD;
	s1 =	sshrl.u32 s1, $0x2  }
0xb8: {  	s3 =	sand.u32 $0x4000, s31;
	s1 =	sadd.s32 s1, s30  }
0xb9: {  	s0 =	sor.u32 s3, s0;
	s1 =	sshll.u32 s1, $0x11  }
0xba: {  	s0 =	sor.u32 s1, s0  }
0xbb: {  	s0 =	sadd.s32 $0x8F2B, s0  }
0xbc: {  	[sflag:s0] =	ssyncadd.remote.s32 $0x1  }
0xbd: {  	_ =	sfence.sel $0xFFFF  }
0xbe: {  	[dreg:$0x0] =	wrdreg $0xFFFFFFFF;
	(pc) =	sbr.abs _section_cstart, $3  }
0xbf: {  	[dreg:$0x1] =	wrdreg $0xFFFFFFFF  }
0xc0: {  	_ =	task.clear_ibuf [dreg:s6], $0x2FFFF;
	_ =	strace $0x9FFFFFFF  }
0xc1: {  	(tm) =	ssettm $0x7FFFFFFF  }
tec
execute0_lowered:
.L_overlay_start_1:
0x0: {  	(tag) =	ssettag $0x1  }
0x1: {  	s5 =	rddreg [dreg:$0x0]  }
0x2: {  	s0 =	rddreg [dreg:$0x1];
	s2 =	simm.s32 $0x0  }
0x3: {  	s3 =	srdreg.scid;
	s1 =	stileid.u32;
	s15 =	simm.s32 $0x200  }
0x4: {  	s16 =	simm.s32 $0x400;
	s17 =	simm.s32 $0x4400;
	s18 =	simm.s32 $0x1  }
0x5: {  	s19 =	simm.s32 $0x2;
	s20 =	simm.s32 $0x0;
	s10 =	smul.u32 $0x190000, s1  }
0x6: {  	[smem:$0x7FF] =	sst s2;
	s7 =	sand.u32 $0x1, s3;
	s11 =	smul.u32 $0xC800, s1  }
0x7: {  	s26 =	sshll.u32 s1, $0x1;
	s3 =	sadd.s32 $0x3D1A00, s5;
	s13 =	smul.u32 $0x6400, s7  }
0x8: {  	s4 =	sadd.s32 $0x1000, s5;
	s6 =	sor.u32 s7, s26;
	s14 =	smul.u32 $0xC8000, s7  }
0x9: {  	s12 =	sadd.s32 $0x3EAA00, s5;
	s9 =	ssub.s32 $0x2, s7;
	s8 =	smul.u32 $0x6400, s6  }
0xa: {  	_ =	strace $0x8000004A;
	s6 =	smul.u32 $0xC8000, s6;
	s28 =	sshrl.u32 s9, $0x1  }
0xb: {  	s9 =	ssub.s32 s9, s28;
	s13 =	sadd.s32 s13, s11;
	s10 =	sadd.s32 s14, s10  }
0xc: {  	s14 =	simm.s32 $0x3;
	s29 =	sshrl.u32 s8, $0x3;
	s30 =	sshrl.u32 s6, $0x3  }
0xd: {  	s9 =	smax.u32 s9, $0x1;
	s11 =	sadd.s32 $0x600, s13;
	s10 =	sshrl.u32 s10, $0x3  }
0xe: {  	s31 =	sshll.u32 s13, $0x2;
	s13 =	sadd.s32 $0x400, s13;
	s5 =	sadd.s32 s3, s29  }
0xf: {  	s8 =	sadd.s32 s12, s30;
	s11 =	sshrl.u32 s11, $0x3;
	s10 =	sadd.s32 s10, s12  }
0x10: {  	s12 =	sadd.s32 s31, s12;
	s6 =	sadd.s32 $0x40, s5;
	s7 =	sadd.s32 $0x18000, s8  }
0x11: {  	s8 =	sadd.s32 $0x18800, s8;
	s11 =	sadd.s32 s11, s3;
	s12 =	sadd.s32 $0x800, s12  }
.LBB2_1:
0x12: {  	[tilespmem:s2], [sflag:$0x3] =	stream.linear.gather [hbm4b:s5+s2], $0x200, $0x38;
	[tilespmem:$0x8400] =	vst v63  }
0x13: {  	_ =	swait.ge [sflag:s14], $0x200  }
0x14: {  	[sflag:s14] =	ssyncset.done $0x0  }
0x15: {  	[sflag:s14] =	ssyncadd.s32 $0xFFFFFE00  }
0x16: {  	[tilespmem:s16], [sflag:$0x1] =	stream.indirect.gather [hbm4b:s4+s15], $0x20, s2, s15, $0xb8;
	[tilespmem:$0x8400] =	vst v63  }
0x17: {  	_ = 	snop  }
0x18: {  	[tilespmem:s15], [sflag:$0x3] =	stream.linear.gather [hbm4b:s6+s2], $0x200, $0x38;
	[tilespmem:$0x8400] =	vst v63  }
0x19: {  	_ =	swait.ge [sflag:s14], $0x200  }
0x1a: {  	[sflag:s14] =	ssyncset.done $0x0  }
0x1b: {  	[sflag:s14] =	ssyncadd.s32 $0xFFFFFE00  }
0x1c: {  	[tilespmem:s17], [sflag:$0x2] =	stream.indirect.gather [hbm4b:s4+s15], $0x20, s15, s15, $0xb8;
	[tilespmem:$0x8400] =	vst v63  }
0x1d: {  	_ =	swait.ge [sflag:s18], $0x4000  }
0x1e: {  	[sflag:s18] =	ssyncset.done $0x0  }
0x1f: {  	s21 =	sadd.s32 $0x0, s10;
	[sflag:s18] =	ssyncadd.s32 $0xFFFFC000  }
0x20: {  	[hbm4b:s21+s2] =	stream.linear.scatter [tilespmem:s16], [sflag:$0x3], $0x4000, $0x38;
	[tilespmem:$0x8400] =	vst v63  }
0x21: {  	_ =	swait.ge [sflag:s14], $0x4000  }
0x22: {  	s30 =	sshrl.u32 s13, $0x3;
	[sflag:s14] =	ssyncset.done $0x0  }
0x23: {  	s21 =	sadd.s32 s3, s30;
	[sflag:s14] =	ssyncadd.s32 $0xFFFFC000  }
0x24: {  	[tilespmem:s2], [sflag:$0x3] =	stream.linear.gather [hbm4b:s21+s2], $0x200, $0x38;
	[tilespmem:$0x8400] =	vst v63  }
0x25: {  	_ =	swait.ge [sflag:s14], $0x200  }
0x26: {  	[sflag:s14] =	ssyncset.done $0x0  }
0x27: {  	[sflag:s14] =	ssyncadd.s32 $0xFFFFFE00  }
0x28: {  	[tilespmem:s16], [sflag:$0x1] =	stream.indirect.gather [hbm4b:s4+s15], $0x20, s2, s15, $0xb8;
	[tilespmem:$0x8400] =	vst v63  }
0x29: {  	_ =	swait.ge [sflag:s19], $0x4000  }
0x2a: {  	[sflag:s19] =	ssyncset.done $0x0  }
0x2b: {  	s31 =	sadd.s32 $0x0, s12;
	[sflag:s19] =	ssyncadd.s32 $0xFFFFC000  }
0x2c: {  	[hbm4b:s31+s2] =	stream.linear.scatter [tilespmem:s17], [sflag:$0x3], $0x4000, $0x38;
	[tilespmem:$0x8400] =	vst v63  }
0x2d: {  	_ =	swait.ge [sflag:s14], $0x4000  }
0x2e: {  	[sflag:s14] =	ssyncset.done $0x0  }
0x2f: {  	[sflag:s14] =	ssyncadd.s32 $0xFFFFC000  }
0x30: {  	[tilespmem:s15], [sflag:$0x3] =	stream.linear.gather [hbm4b:s11+s2], $0x200, $0x38;
	[tilespmem:$0x8400] =	vst v63  }
0x31: {  	_ =	swait.ge [sflag:s14], $0x200  }
0x32: {  	s22 =	sadd.s32 $0x80, s11;
	[sflag:s14] =	ssyncset.done $0x0  }
0x33: {  	s23 =	sadd.s32 $0x400, s13;
	s21 =	simm.s32 $0x1000;
	[sflag:s14] =	ssyncadd.s32 $0xFFFFFE00  }
.LBB2_2:
0x34: {  	[tilespmem:s17], [sflag:$0x2] =	stream.indirect.gather [hbm4b:s4+s15], $0x20, s15, s15, $0xb8;
	[tilespmem:$0x8400] =	vst v63  }
0x35: {  	s24 =	smov.u32 s21  }
0x36: {  	p0 =	sne.s32 s21, $0x17000;
	s21 =	sadd.s32 $0x1000, s21;
	_ =	swait.ge [sflag:s18], $0x4000  }
0x37: {  	[sflag:s18] =	ssyncset.done $0x0  }
0x38: {  	s25 =	sadd.s32 s24, s10;
	[sflag:s18] =	ssyncadd.s32 $0xFFFFC000  }
0x39: {  	[hbm4b:s25+s2] =	stream.linear.scatter [tilespmem:s16], [sflag:$0x3], $0x4000, $0x38;
	[tilespmem:$0x8400] =	vst v63  }
0x3a: {  	_ =	swait.ge [sflag:s14], $0x4000  }
0x3b: {  	s25 =	sshrl.u32 s23, $0x3;
	[sflag:s14] =	ssyncset.done $0x0  }
0x3c: {  	s25 =	sadd.s32 s3, s25;
	[sflag:s14] =	ssyncadd.s32 $0xFFFFC000  }
0x3d: {  	[tilespmem:s2], [sflag:$0x3] =	stream.linear.gather [hbm4b:s25+s2], $0x200, $0x38;
	[tilespmem:$0x8400] =	vst v63  }
0x3e: {  	_ =	swait.ge [sflag:s14], $0x200  }
0x3f: {  	[sflag:s14] =	ssyncset.done $0x0  }
0x40: {  	[sflag:s14] =	ssyncadd.s32 $0xFFFFFE00  }
0x41: {  	[tilespmem:s16], [sflag:$0x1] =	stream.indirect.gather [hbm4b:s4+s15], $0x20, s2, s15, $0xb8;
	[tilespmem:$0x8400] =	vst v63  }
0x42: {  	_ =	swait.ge [sflag:s19], $0x4000  }
0x43: {  	[sflag:s19] =	ssyncset.done $0x0  }
0x44: {  	s24 =	sadd.s32 s24, s12;
	[sflag:s19] =	ssyncadd.s32 $0xFFFFC000  }
0x45: {  	[hbm4b:s24+s2] =	stream.linear.scatter [tilespmem:s17], [sflag:$0x3], $0x4000, $0x38;
	[tilespmem:$0x8400] =	vst v63  }
0x46: {  	_ =	swait.ge [sflag:s14], $0x4000  }
0x47: {  	[sflag:s14] =	ssyncset.done $0x0  }
.Ltmp0:
0x48: {  	[sflag:s14] =	ssyncadd.s32 $0xFFFFC000;
	(pc) =	sbr.rel @p0 .LBB2_2-.Ltmp0, $4  }
0x49: {  	[tilespmem:s15], [sflag:$0x3] =	stream.linear.gather [hbm4b:s22+s2], $0x200, $0x38;
	[tilespmem:$0x8400] =	vst v63  }
0x4a: {  	_ =	swait.ge [sflag:s14], $0x200  }
0x4b: {  	[sflag:s14] =	ssyncset.done $0x0  }
0x4c: {  	s23 =	sadd.s32 $0x400, s23;
	s22 =	sadd.s32 $0x80, s22;
	[sflag:s14] =	ssyncadd.s32 $0xFFFFFE00  }
0x4d: {  	[tilespmem:s17], [sflag:$0x2] =	stream.indirect.gather [hbm4b:s4+s15], $0x20, s15, s15, $0xb8;
	[tilespmem:$0x8400] =	vst v63  }
0x4e: {  	_ =	swait.ge [sflag:s18], $0x4000  }
0x4f: {  	[sflag:s18] =	ssyncset.done $0x0  }
0x50: {  	[sflag:s18] =	ssyncadd.s32 $0xFFFFC000  }
0x51: {  	[hbm4b:s7+s2] =	stream.linear.scatter [tilespmem:s16], [sflag:$0x3], $0x4000, $0x38;
	[tilespmem:$0x8400] =	vst v63  }
0x52: {  	_ =	swait.ge [sflag:s14], $0x4000  }
0x53: {  	[sflag:s14] =	ssyncset.done $0x0  }
0x54: {  	[sflag:s14] =	ssyncadd.s32 $0xFFFFC000  }
0x55: {  	s20 =	sadd.s32 $0x1, s20;
	_ =	swait.ge [sflag:s19], $0x4000  }
0x56: {  	p0 =	sne.s32 s20, s9;
	[sflag:s19] =	ssyncset.done $0x0  }
.Ltmp1:
0x57: {  	[sflag:s19] =	ssyncadd.s32 $0xFFFFC000;
	(pc) =	sbr.rel @p0 .LBB2_1-.Ltmp1, $4  }
0x58: {  	[hbm4b:s8+s2] =	stream.linear.scatter [tilespmem:s17], [sflag:$0x3], $0x4000, $0x38;
	[tilespmem:$0x8400] =	vst v63  }
0x59: {  	_ =	swait.ge [sflag:s14], $0x4000  }
0x5a: {  	[sflag:s14] =	ssyncset.done $0x0  }
0x5b: {  	[sflag:s14] =	ssyncadd.s32 $0xFFFFC000  }
0x5c: {  	_ =	sfence.sel $0x180000  }
0x5d: {  	[bflag:$0x0] =	sbarrier.arrive $0xFFFF  }
0x5e: {  	p0 =	sne.s32 s1, $0x0;
	_ =	strace $0x9000004A  }
0x5f: {  	s0 =	sadd.s32 @!p0 $0x100000, s0;
	[bflag:$0x2] =	sbarrier.arrive $0xFFFF  }
0x60: {  	[sflag:s0] =	ssyncadd.tile.s32 @!p0 $0x1;
	_ =	shalt  }
.Lfunc_end2:
_tile_overlayer_lowered:
.L_overlay_start_2:
0x61: {  	(tag) =	ssettag $0x2  }
0x62: {  	s0 =	rddreg [dreg:$0x0];
	s2 =	stileid.u32  }
0x63: {  	s1 =	rddreg [dreg:$0x1];
	p0 =	sne.s32 s2, $0x0  }
0x64: {  	s3 =	rddreg [dreg:$0x2];
	[bflag:$0x3] =	sbarrier.arrive $0xFFFF;
	s2 =	simm.s32 @!p0 $0x1C03  }
0x65: {  	[timem:s3], [sflag:s2] =	dma.local @!p0 [hbm:s0], s1  }
0x66: {  	s0 =	simm.s32 @!p0 $0x3  }
0x67: {  	_ =	swait.ge @!p0 [sflag:s0], s1  }
0x68: {  	s1 =	ssub.s32 @!p0 $0x0, s1;
	[sflag:s0] =	ssyncset.done @!p0 $0x0  }
0x69: {  	[sflag:s0] =	ssyncadd.s32 @!p0 s1  }
0x6a: {  	[bflag:$0x3] =	sbarrier.arrive $0xFFFF  }
0x6b: {  	_ =	shalt  }

</sc_bundles>
